<compile_context>
chip_gen: v7x
topology: tpu7x:2x2x1
jax: 0.10.2.dev20260603
libtpu: 0.0.44.dev20260713+nightly
codegen_flags: <defaults>
</compile_context>

<pallas_src>
import jax
import jax.numpy as jnp
from jax import lax
from jax.experimental import pallas as pl
from jax.experimental.pallas import tpu as pltpu
from jax.experimental.pallas import tpu_sc as plsc

_B, _C = 4, 3
_GRID = 33
_NPIX = 512 * 512
_NLUT = _GRID * _GRID * _GRID
_NLUT_PAD = 35944
_NC, _NS = 2, 16
_NW = _NC * _NS
_TPB = _NW // _B
_PPT = _NPIX // _TPB
_CHUNK = 1024
_NCHUNK = _PPT // _CHUNK
_L = 16


_CMAX = 31.999998092651367
_SHIFTS = (0, 1, _GRID, _GRID + 1,
           _GRID * _GRID, _GRID * _GRID + 1,
           _GRID * _GRID + _GRID, _GRID * _GRID + _GRID + 1)

def _sc_body(img_hbm, lut_hbm, out_hbm,
             lut0, lut1, lut2,
             xa, ya, za, oa0, oa1, oa2,
             xb, yb, zb, ob0, ob1, ob2,
             sem_ia, sem_ib, sem_oa, sem_ob, sem_lut):
    wid = lax.axis_index("s") * _NC + lax.axis_index("c")
    b = wid // _TPB
    sub = wid % _TPB
    lbase = b * (_C * _NLUT_PAD)
    pltpu.async_copy(lut_hbm.at[pl.ds(pl.multiple_of(lbase, 8), _NLUT_PAD)], lut0, sem_lut)
    pltpu.async_copy(lut_hbm.at[pl.ds(pl.multiple_of(lbase + _NLUT_PAD, 8), _NLUT_PAD)], lut1, sem_lut)
    pltpu.async_copy(lut_hbm.at[pl.ds(pl.multiple_of(lbase + 2 * _NLUT_PAD, 8), _NLUT_PAD)], lut2, sem_lut)
    base = b * (_C * _NPIX) + sub * _PPT

    set_a = (xa, ya, za, oa0, oa1, oa2, sem_ia, sem_oa)
    set_b = (xb, yb, zb, ob0, ob1, ob2, sem_ib, sem_ob)

    def start_in(bufs, t):
        x, y, z, _, _, _, sem_i, _ = bufs
        off = pl.multiple_of(base + t * _CHUNK, _CHUNK)
        pltpu.async_copy(img_hbm.at[pl.ds(off, _CHUNK)], x, sem_i)
        pltpu.async_copy(img_hbm.at[pl.ds(off + _NPIX, _CHUNK)], y, sem_i)
        pltpu.async_copy(img_hbm.at[pl.ds(off + 2 * _NPIX, _CHUNK)], z, sem_i)

    def wait_in(bufs):
        x, y, z, _, _, _, sem_i, _ = bufs
        for d in (x, y, z):
            pltpu.make_async_copy(img_hbm.at[pl.ds(0, _CHUNK)], d, sem_i).wait()

    def start_out(bufs, t):
        _, _, _, p0, p1, p2, _, sem_o = bufs
        off = pl.multiple_of(base + t * _CHUNK, _CHUNK)
        pltpu.async_copy(p0, out_hbm.at[pl.ds(off, _CHUNK)], sem_o)
        pltpu.async_copy(p1, out_hbm.at[pl.ds(off + _NPIX, _CHUNK)], sem_o)
        pltpu.async_copy(p2, out_hbm.at[pl.ds(off + 2 * _NPIX, _CHUNK)], sem_o)

    def wait_out(bufs):
        _, _, _, p0, p1, p2, _, sem_o = bufs
        for s in (p0, p1, p2):
            pltpu.make_async_copy(s, out_hbm.at[pl.ds(0, _CHUNK)], sem_o).wait()

    def compute(bufs):
        x_r, y_r, z_r, p0, p1, p2, _, _ = bufs

        @plsc.parallel_loop(0, _CHUNK, step=_L, unroll=2)
        def _grp(g):
            s = pl.multiple_of(g, _L)

            def coord(v):
                cc = jnp.minimum(jnp.maximum(v * (_GRID - 1.0), 0.0), _CMAX)
                i0 = cc.astype(jnp.int32)
                w = cc - i0.astype(jnp.float32)
                return i0, w

            x0, wx = coord(x_r[pl.ds(s, _L)])
            y0, wy = coord(y_r[pl.ds(s, _L)])
            z0, wz = coord(z_r[pl.ds(s, _L)])
            i000 = (z0 * _GRID + y0) * _GRID + x0
            idx = [i000 + k if k else i000 for k in _SHIFTS]

            ux = 1.0 - wx
            w11 = wx * wy
            w10 = wy - w11
            w01 = wx - w11
            w00 = ux - w10

            corners = [[plsc.load_gather(ref, [idx[k]]) for k in range(8)]
                       for ref in (lut0, lut1, lut2)]
            for (c000, c001, c010, c011, c100, c101, c110, c111), ob in zip(
                    corners, (p0, p1, p2)):
                r0 = (w00 * c000 + w01 * c001) + (w10 * c010 + w11 * c011)
                r1 = (w00 * c100 + w01 * c101) + (w10 * c110 + w11 * c111)
                ob[pl.ds(s, _L)] = r0 + wz * (r1 - r0)

    start_in(set_a, 0)
    for d in (lut0, lut1, lut2):
        pltpu.make_async_copy(lut_hbm.at[pl.ds(0, _NLUT_PAD)], d, sem_lut).wait()

    @pl.loop(0, _NCHUNK, step=2)
    def _pair(t):
        start_in(set_b, t + 1)
        wait_in(set_a)

        @pl.when(t >= 2)
        def _():
            wait_out(set_a)

        compute(set_a)
        start_out(set_a, t)

        @pl.when(t + 2 < _NCHUNK)
        def _():
            start_in(set_a, t + 2)

        wait_in(set_b)

        @pl.when(t >= 2)
        def _():
            wait_out(set_b)

        compute(set_b)
        start_out(set_b, t + 1)

    wait_out(set_a)
    wait_out(set_b)


def kernel(img, lut):
    imgf = img.reshape(_B * _C * _NPIX)
    lutf = lut.reshape(_B, _C, _NLUT)
    lutp = jnp.pad(lutf, ((0, 0), (0, 0), (0, _NLUT_PAD - _NLUT)))
    lutp = lutp.reshape(_B * _C * _NLUT_PAD)
    vm = lambda n: pltpu.VMEM((n,), jnp.float32)
    k = pl.kernel(
        _sc_body,
        out_type=jax.ShapeDtypeStruct((_B * _C * _NPIX,), jnp.float32),
        mesh=plsc.VectorSubcoreMesh(core_axis_name="c", subcore_axis_name="s"),
        scratch_types=[vm(_NLUT_PAD), vm(_NLUT_PAD), vm(_NLUT_PAD)]
                      + [vm(_CHUNK)] * 12
                      + [pltpu.SemaphoreType.DMA] * 5,
        compiler_params=pltpu.CompilerParams(needs_layout_passes=False),
    )
    return k(imgf, lutp).reshape(_B, _C, 512, 512)

# --- scband reference (transcript-rebuilt; emitter-appended) ---
"""Pipeline reference for scband-trilinear-lut-15006615732751 (READ-ONLY COPY).

The authoritative reference and input builder live on the scoring server;
editing this copy changes nothing except your own understanding.
"""

import jax, jax.numpy as jnp
import numpy as np


def setup_inputs(seed: int = 0) -> dict:
    key = jax.random.key(seed)
    k1, k2 = jax.random.split(key)
    img = jax.random.uniform(k1, (4, 3, 512, 512), dtype=jnp.float32)
    lut = jax.random.normal(k2, (4, 3, 33, 33, 33), dtype=jnp.float32)
    return {"img": img, "lut": lut}


def _trilinear_sample(lut, img):
    # lut: (B, C, D, H, W); img: (B, 3, Hi, Wi) used as (x, y, z) coords in [0, 1]
    B, C, D, H, W = lut.shape
    Hi, Wi = img.shape[2], img.shape[3]
    # grid = img.permute(0,2,3,1)*2 - 1, last dim is (x, y, z) -> (W, H, D) axes
    grid = jnp.transpose(img, (0, 2, 3, 1)) * 2.0 - 1.0  # (B, Hi, Wi, 3)
    gx, gy, gz = grid[..., 0], grid[..., 1], grid[..., 2]
    # align_corners=True unnormalization, padding_mode='border' -> clamp coords
    x = jnp.clip((gx + 1.0) * 0.5 * (W - 1), 0.0, W - 1.0)
    y = jnp.clip((gy + 1.0) * 0.5 * (H - 1), 0.0, H - 1.0)
    z = jnp.clip((gz + 1.0) * 0.5 * (D - 1), 0.0, D - 1.0)
    x0f = jnp.floor(x); y0f = jnp.floor(y); z0f = jnp.floor(z)
    wx = x - x0f; wy = y - y0f; wz = z - z0f
    x0 = jnp.clip(x0f.astype(jnp.int32), 0, W - 1); x1 = jnp.clip(x0 + 1, 0, W - 1)
    y0 = jnp.clip(y0f.astype(jnp.int32), 0, H - 1); y1 = jnp.clip(y0 + 1, 0, H - 1)
    z0 = jnp.clip(z0f.astype(jnp.int32), 0, D - 1); z1 = jnp.clip(z0 + 1, 0, D - 1)
    lut_flat = lut.reshape(B, C, D * H * W)

    def gather(zi, yi, xi):
        idx = (zi * H + yi) * W + xi  # (B, Hi, Wi)
        def one(lf, ix):
            return jnp.take(lf, ix.reshape(-1), axis=1).reshape(C, Hi, Wi)
        return jax.vmap(one)(lut_flat, idx)  # (B, C, Hi, Wi)

    c000 = gather(z0, y0, x0); c001 = gather(z0, y0, x1)
    c010 = gather(z0, y1, x0); c011 = gather(z0, y1, x1)
    c100 = gather(z1, y0, x0); c101 = gather(z1, y0, x1)
    c110 = gather(z1, y1, x0); c111 = gather(z1, y1, x1)
    wxb = wx[:, None]; wyb = wy[:, None]; wzb = wz[:, None]  # (B, 1, Hi, Wi)
    out = (c000 * (1 - wzb) * (1 - wyb) * (1 - wxb)
           + c001 * (1 - wzb) * (1 - wyb) * wxb
           + c010 * (1 - wzb) * wyb * (1 - wxb)
           + c011 * (1 - wzb) * wyb * wxb
           + c100 * wzb * (1 - wyb) * (1 - wxb)
           + c101 * wzb * (1 - wyb) * wxb
           + c110 * wzb * wyb * (1 - wxb)
           + c111 * wzb * wyb * wxb)
    return out  # (B, C, Hi, Wi) == out.squeeze(2) in torch version


def reference(img, lut):
    l = lut
    if l.shape[0] == 1 and img.shape[0] > 1:
        l = jnp.broadcast_to(l, (img.shape[0],) + l.shape[1:])
    return _trilinear_sample(l, img)

if __name__ == "__main__":
    import jax
    _d = setup_inputs()
    print(jax.jit(kernel)(*tuple(_d.values())))

</pallas_src>

<mosaic_0001>
#map = affine_map<(d0, d1) -> (0)>
module attributes {stable_mosaic.version = 14 : i64} {
  func.func @_sc_body(%arg0: i32, %arg1: i32, %arg2: memref<3145728xf32, #tpu.memory_space<hbm>>, %arg3: memref<431328xf32, #tpu.memory_space<hbm>>, %arg4: memref<3145728xf32, #tpu.memory_space<hbm>>, %arg5: memref<35944xf32, #tpu.memory_space<vmem>>, %arg6: memref<35944xf32, #tpu.memory_space<vmem>>, %arg7: memref<35944xf32, #tpu.memory_space<vmem>>, %arg8: memref<1024xf32, #tpu.memory_space<vmem>>, %arg9: memref<1024xf32, #tpu.memory_space<vmem>>, %arg10: memref<1024xf32, #tpu.memory_space<vmem>>, %arg11: memref<1024xf32, #tpu.memory_space<vmem>>, %arg12: memref<1024xf32, #tpu.memory_space<vmem>>, %arg13: memref<1024xf32, #tpu.memory_space<vmem>>, %arg14: memref<1024xf32, #tpu.memory_space<vmem>>, %arg15: memref<1024xf32, #tpu.memory_space<vmem>>, %arg16: memref<1024xf32, #tpu.memory_space<vmem>>, %arg17: memref<1024xf32, #tpu.memory_space<vmem>>, %arg18: memref<1024xf32, #tpu.memory_space<vmem>>, %arg19: memref<1024xf32, #tpu.memory_space<vmem>>, %arg20: memref<!tpu.dma_semaphore, #tpu.memory_space<semaphore_mem>>, %arg21: memref<!tpu.dma_semaphore, #tpu.memory_space<semaphore_mem>>, %arg22: memref<!tpu.dma_semaphore, #tpu.memory_space<semaphore_mem>>, %arg23: memref<!tpu.dma_semaphore, #tpu.memory_space<semaphore_mem>>, %arg24: memref<!tpu.dma_semaphore, #tpu.memory_space<semaphore_mem>>) attributes {dimension_semantics = [#tpu.dimension_semantics<core_parallel>, #tpu.dimension_semantics<subcore_parallel>], iteration_bounds = array<i64: 2, 16>, scalar_prefetch = 0 : i64, scratch_operands = 20 : i64, tpu.core_type = #tpu.core_type<sc_vector_subcore>, window_params = [{transform_indices = #map}, {transform_indices = #map}, {transform_indices = #map}]} {
    %mul3A = arith.constant 2 : i32
    %mul3A_0 = arith.muli %arg1, %mul3A : i32
    %add3A = arith.addi %mul3A_0, %arg0 : i32
    %jit3A = arith.constant 8 : i32
    %div3A = arith.divsi %add3A, %jit3A : i32
    %sign3A = arith.constant 0 : i32
    %sign3A_1 = arith.cmpi sgt, %add3A, %sign3A : i32
    %sign3A_2 = arith.extui %sign3A_1 : i1 to i32
    %sign3A_3 = arith.constant 0 : i32
    %sign3A_4 = arith.cmpi slt, %add3A, %sign3A_3 : i32
    %sign3A_5 = arith.extui %sign3A_4 : i1 to i32
    %sign3A_6 = arith.subi %sign3A_2, %sign3A_5 : i32
    %sign3A_7 = arith.constant 0 : i32
    %sign3A_8 = arith.cmpi sgt, %jit3A, %sign3A_7 : i32
    %sign3A_9 = arith.extui %sign3A_8 : i1 to i32
    %sign3A_10 = arith.constant 0 : i32
    %sign3A_11 = arith.cmpi slt, %jit3A, %sign3A_10 : i32
    %sign3A_12 = arith.extui %sign3A_11 : i1 to i32
    %sign3A_13 = arith.subi %sign3A_9, %sign3A_12 : i32
    %ne3A = arith.cmpi ne, %sign3A_6, %sign3A_13 : i32
    %rem3A = arith.remsi %add3A, %jit3A : i32
    %ne3A_14 = arith.constant 0 : i32
    %ne3A_15 = arith.cmpi ne, %rem3A, %ne3A_14 : i32
    %and3A = arith.andi %ne3A, %ne3A_15 : i1
    %sub3A = arith.constant 1 : i32
    %sub3A_16 = arith.subi %div3A, %sub3A : i32
    %select_n3A = arith.select %and3A, %sub3A_16, %div3A : i32
    %jit3A_17 = arith.constant 8 : i32
    %eq3A = arith.constant 0 : i32
    %eq3A_18 = arith.cmpi eq, %jit3A_17, %eq3A : i32
    %jit3A_19 = arith.constant 1 : i32
    %select_n3A_20 = arith.select %eq3A_18, %jit3A_19, %jit3A_17 : i32
    %rem3A_21 = arith.remsi %add3A, %select_n3A_20 : i32
    %ne3A_22 = arith.constant 0 : i32
    %ne3A_23 = arith.cmpi ne, %rem3A_21, %ne3A_22 : i32
    %lt3A = arith.constant 0 : i32
    %lt3A_24 = arith.cmpi slt, %rem3A_21, %lt3A : i32
    %lt3A_25 = arith.constant 0 : i32
    %lt3A_26 = arith.cmpi slt, %select_n3A_20, %lt3A_25 : i32
    %ne3A_27 = arith.xori %lt3A_24, %lt3A_26 : i1
    %and3A_28 = arith.andi %ne3A_27, %ne3A_23 : i1
    %add3A_29 = arith.addi %rem3A_21, %select_n3A_20 : i32
    %select_n3A_30 = arith.select %and3A_28, %add3A_29, %rem3A_21 : i32
    %mul3A_31 = arith.constant 107832 : i32
    %mul3A_32 = arith.muli %select_n3A, %mul3A_31 : i32
    %multiple_of3A = tpu.assume_multiple %mul3A_32, 8 : i32
    %dma_start3A = tpu.memref_slice %arg3[%multiple_of3A] : memref<431328xf32, #tpu.memory_space<hbm>> -> memref<35944xf32, #tpu.memory_space<hbm>>
    %dma_start3A_33 = tpu.memref_slice %arg3[%multiple_of3A] : memref<431328xf32, #tpu.memory_space<hbm>> -> memref<35944xf32, #tpu.memory_space<hbm>>
    tpu.enqueue_dma source(%dma_start3A_33 : memref<35944xf32, #tpu.memory_space<hbm>>) target(%arg5 : memref<35944xf32, #tpu.memory_space<vmem>>) target_semaphore(%arg24 : memref<!tpu.dma_semaphore, #tpu.memory_space<semaphore_mem>>)
    %add3A_34 = arith.constant 35944 : i32
    %add3A_35 = arith.addi %mul3A_32, %add3A_34 : i32
    %multiple_of3A_36 = tpu.assume_multiple %add3A_35, 8 : i32
    %dma_start3A_37 = tpu.memref_slice %arg3[%multiple_of3A_36] : memref<431328xf32, #tpu.memory_space<hbm>> -> memref<35944xf32, #tpu.memory_space<hbm>>
    %dma_start3A_38 = tpu.memref_slice %arg3[%multiple_of3A_36] : memref<431328xf32, #tpu.memory_space<hbm>> -> memref<35944xf32, #tpu.memory_space<hbm>>
    tpu.enqueue_dma source(%dma_start3A_38 : memref<35944xf32, #tpu.memory_space<hbm>>) target(%arg6 : memref<35944xf32, #tpu.memory_space<vmem>>) target_semaphore(%arg24 : memref<!tpu.dma_semaphore, #tpu.memory_space<semaphore_mem>>)
    %add3A_39 = arith.constant 71888 : i32
    %add3A_40 = arith.addi %mul3A_32, %add3A_39 : i32
    %multiple_of3A_41 = tpu.assume_multiple %add3A_40, 8 : i32
    %dma_start3A_42 = tpu.memref_slice %arg3[%multiple_of3A_41] : memref<431328xf32, #tpu.memory_space<hbm>> -> memref<35944xf32, #tpu.memory_space<hbm>>
    %dma_start3A_43 = tpu.memref_slice %arg3[%multiple_of3A_41] : memref<431328xf32, #tpu.memory_space<hbm>> -> memref<35944xf32, #tpu.memory_space<hbm>>
    tpu.enqueue_dma source(%dma_start3A_43 : memref<35944xf32, #tpu.memory_space<hbm>>) target(%arg7 : memref<35944xf32, #tpu.memory_space<vmem>>) target_semaphore(%arg24 : memref<!tpu.dma_semaphore, #tpu.memory_space<semaphore_mem>>)
    %mul3A_44 = arith.constant 786432 : i32
    %mul3A_45 = arith.muli %select_n3A, %mul3A_44 : i32
    %mul3A_46 = arith.constant 32768 : i32
    %mul3A_47 = arith.muli %select_n3A_30, %mul3A_46 : i32
    %add3A_48 = arith.addi %mul3A_45, %mul3A_47 : i32
    %add3A_49 = arith.constant 0 : i32
    %add3A_50 = arith.addi %add3A_48, %add3A_49 : i32
    %multiple_of3A_51 = tpu.assume_multiple %add3A_50, 1024 : i32
    %dma_start3A_52 = tpu.memref_slice %arg2[%multiple_of3A_51] : memref<3145728xf32, #tpu.memory_space<hbm>> -> memref<1024xf32, #tpu.memory_space<hbm>>
    %dma_start3A_53 = tpu.memref_slice %arg2[%multiple_of3A_51] : memref<3145728xf32, #tpu.memory_space<hbm>> -> memref<1024xf32, #tpu.memory_space<hbm>>
    tpu.enqueue_dma source(%dma_start3A_53 : memref<1024xf32, #tpu.memory_space<hbm>>) target(%arg8 : memref<1024xf32, #tpu.memory_space<vmem>>) target_semaphore(%arg20 : memref<!tpu.dma_semaphore, #tpu.memory_space<semaphore_mem>>)
    %add3A_54 = arith.constant 262144 : i32
    %add3A_55 = arith.addi %multiple_of3A_51, %add3A_54 : i32
    %dma_start3A_56 = tpu.memref_slice %arg2[%add3A_55] : memref<3145728xf32, #tpu.memory_space<hbm>> -> memref<1024xf32, #tpu.memory_space<hbm>>
    %dma_start3A_57 = tpu.memref_slice %arg2[%add3A_55] : memref<3145728xf32, #tpu.memory_space<hbm>> -> memref<1024xf32, #tpu.memory_space<hbm>>
    tpu.enqueue_dma source(%dma_start3A_57 : memref<1024xf32, #tpu.memory_space<hbm>>) target(%arg9 : memref<1024xf32, #tpu.memory_space<vmem>>) target_semaphore(%arg20 : memref<!tpu.dma_semaphore, #tpu.memory_space<semaphore_mem>>)
    %add3A_58 = arith.constant 524288 : i32
    %add3A_59 = arith.addi %multiple_of3A_51, %add3A_58 : i32
    %dma_start3A_60 = tpu.memref_slice %arg2[%add3A_59] : memref<3145728xf32, #tpu.memory_space<hbm>> -> memref<1024xf32, #tpu.memory_space<hbm>>
    %dma_start3A_61 = tpu.memref_slice %arg2[%add3A_59] : memref<3145728xf32, #tpu.memory_space<hbm>> -> memref<1024xf32, #tpu.memory_space<hbm>>
    tpu.enqueue_dma source(%dma_start3A_61 : memref<1024xf32, #tpu.memory_space<hbm>>) target(%arg10 : memref<1024xf32, #tpu.memory_space<vmem>>) target_semaphore(%arg20 : memref<!tpu.dma_semaphore, #tpu.memory_space<semaphore_mem>>)
    %dma_wait3A = arith.constant 0 : i32
    %dma_wait3A_62 = tpu.memref_slice %arg3[%dma_wait3A] : memref<431328xf32, #tpu.memory_space<hbm>> -> memref<35944xf32, #tpu.memory_space<hbm>>
    %dma_wait3A_63 = arith.constant 0 : i32
    %dma_wait3A_64 = tpu.memref_slice %arg3[%dma_wait3A_63] : memref<431328xf32, #tpu.memory_space<hbm>> -> memref<35944xf32, #tpu.memory_space<hbm>>
    tpu.wait_dma2 semaphore(%arg24 : memref<!tpu.dma_semaphore, #tpu.memory_space<semaphore_mem>>) src(%dma_wait3A_64 : memref<35944xf32, #tpu.memory_space<hbm>>) dst(%arg5 : memref<35944xf32, #tpu.memory_space<vmem>>)
    %dma_wait3A_65 = arith.constant 0 : i32
    %dma_wait3A_66 = tpu.memref_slice %arg3[%dma_wait3A_65] : memref<431328xf32, #tpu.memory_space<hbm>> -> memref<35944xf32, #tpu.memory_space<hbm>>
    %dma_wait3A_67 = arith.constant 0 : i32
    %dma_wait3A_68 = tpu.memref_slice %arg3[%dma_wait3A_67] : memref<431328xf32, #tpu.memory_space<hbm>> -> memref<35944xf32, #tpu.memory_space<hbm>>
    tpu.wait_dma2 semaphore(%arg24 : memref<!tpu.dma_semaphore, #tpu.memory_space<semaphore_mem>>) src(%dma_wait3A_68 : memref<35944xf32, #tpu.memory_space<hbm>>) dst(%arg6 : memref<35944xf32, #tpu.memory_space<vmem>>)
    %dma_wait3A_69 = arith.constant 0 : i32
    %dma_wait3A_70 = tpu.memref_slice %arg3[%dma_wait3A_69] : memref<431328xf32, #tpu.memory_space<hbm>> -> memref<35944xf32, #tpu.memory_space<hbm>>
    %dma_wait3A_71 = arith.constant 0 : i32
    %dma_wait3A_72 = tpu.memref_slice %arg3[%dma_wait3A_71] : memref<431328xf32, #tpu.memory_space<hbm>> -> memref<35944xf32, #tpu.memory_space<hbm>>
    tpu.wait_dma2 semaphore(%arg24 : memref<!tpu.dma_semaphore, #tpu.memory_space<semaphore_mem>>) src(%dma_wait3A_72 : memref<35944xf32, #tpu.memory_space<hbm>>) dst(%arg7 : memref<35944xf32, #tpu.memory_space<vmem>>)
    %scan3A = arith.constant 0 : i32
    %scan3A_73 = arith.constant 16 : i32
    %scan3A_74 = arith.addi %scan3A, %scan3A_73 : i32
    %scan3A_75 = arith.constant 1 : i32
    scf.for %scan3A_101 = %scan3A to %scan3A_74 step %scan3A_75  : i32 {
      %mul3A_102 = arith.constant 2 : i32
      %mul3A_103 = arith.muli %scan3A_101, %mul3A_102 : i32
      %add3A_104 = arith.constant 0 : i32
      %add3A_105 = arith.addi %add3A_104, %mul3A_103 : i32
      %add3A_106 = arith.constant 1 : i32
      %add3A_107 = arith.addi %add3A_105, %add3A_106 : i32
      %mul3A_108 = arith.constant 1024 : i32
      %mul3A_109 = arith.muli %add3A_107, %mul3A_108 : i32
      %add3A_110 = arith.addi %add3A_48, %mul3A_109 : i32
      %multiple_of3A_111 = tpu.assume_multiple %add3A_110, 1024 : i32
      %dma_start3A_112 = tpu.memref_slice %arg2[%multiple_of3A_111] : memref<3145728xf32, #tpu.memory_space<hbm>> -> memref<1024xf32, #tpu.memory_space<hbm>>
      %dma_start3A_113 = tpu.memref_slice %arg2[%multiple_of3A_111] : memref<3145728xf32, #tpu.memory_space<hbm>> -> memref<1024xf32, #tpu.memory_space<hbm>>
      tpu.enqueue_dma source(%dma_start3A_113 : memref<1024xf32, #tpu.memory_space<hbm>>) target(%arg14 : memref<1024xf32, #tpu.memory_space<vmem>>) target_semaphore(%arg21 : memref<!tpu.dma_semaphore, #tpu.memory_space<semaphore_mem>>)
      %add3A_114 = arith.constant 262144 : i32
      %add3A_115 = arith.addi %multiple_of3A_111, %add3A_114 : i32
      %dma_start3A_116 = tpu.memref_slice %arg2[%add3A_115] : memref<3145728xf32, #tpu.memory_space<hbm>> -> memref<1024xf32, #tpu.memory_space<hbm>>
      %dma_start3A_117 = tpu.memref_slice %arg2[%add3A_115] : memref<3145728xf32, #tpu.memory_space<hbm>> -> memref<1024xf32, #tpu.memory_space<hbm>>
      tpu.enqueue_dma source(%dma_start3A_117 : memref<1024xf32, #tpu.memory_space<hbm>>) target(%arg15 : memref<1024xf32, #tpu.memory_space<vmem>>) target_semaphore(%arg21 : memref<!tpu.dma_semaphore, #tpu.memory_space<semaphore_mem>>)
      %add3A_118 = arith.constant 524288 : i32
      %add3A_119 = arith.addi %multiple_of3A_111, %add3A_118 : i32
      %dma_start3A_120 = tpu.memref_slice %arg2[%add3A_119] : memref<3145728xf32, #tpu.memory_space<hbm>> -> memref<1024xf32, #tpu.memory_space<hbm>>
      %dma_start3A_121 = tpu.memref_slice %arg2[%add3A_119] : memref<3145728xf32, #tpu.memory_space<hbm>> -> memref<1024xf32, #tpu.memory_space<hbm>>
      tpu.enqueue_dma source(%dma_start3A_121 : memref<1024xf32, #tpu.memory_space<hbm>>) target(%arg16 : memref<1024xf32, #tpu.memory_space<vmem>>) target_semaphore(%arg21 : memref<!tpu.dma_semaphore, #tpu.memory_space<semaphore_mem>>)
      %dma_wait3A_122 = arith.constant 0 : i32
      %dma_wait3A_123 = tpu.memref_slice %arg2[%dma_wait3A_122] : memref<3145728xf32, #tpu.memory_space<hbm>> -> memref<1024xf32, #tpu.memory_space<hbm>>
      %dma_wait3A_124 = arith.constant 0 : i32
      %dma_wait3A_125 = tpu.memref_slice %arg2[%dma_wait3A_124] : memref<3145728xf32, #tpu.memory_space<hbm>> -> memref<1024xf32, #tpu.memory_space<hbm>>
      tpu.wait_dma2 semaphore(%arg20 : memref<!tpu.dma_semaphore, #tpu.memory_space<semaphore_mem>>) src(%dma_wait3A_125 : memref<1024xf32, #tpu.memory_space<hbm>>) dst(%arg8 : memref<1024xf32, #tpu.memory_space<vmem>>)
      %dma_wait3A_126 = arith.constant 0 : i32
      %dma_wait3A_127 = tpu.memref_slice %arg2[%dma_wait3A_126] : memref<3145728xf32, #tpu.memory_space<hbm>> -> memref<1024xf32, #tpu.memory_space<hbm>>
      %dma_wait3A_128 = arith.constant 0 : i32
      %dma_wait3A_129 = tpu.memref_slice %arg2[%dma_wait3A_128] : memref<3145728xf32, #tpu.memory_space<hbm>> -> memref<1024xf32, #tpu.memory_space<hbm>>
      tpu.wait_dma2 semaphore(%arg20 : memref<!tpu.dma_semaphore, #tpu.memory_space<semaphore_mem>>) src(%dma_wait3A_129 : memref<1024xf32, #tpu.memory_space<hbm>>) dst(%arg9 : memref<1024xf32, #tpu.memory_space<vmem>>)
      %dma_wait3A_130 = arith.constant 0 : i32
      %dma_wait3A_131 = tpu.memref_slice %arg2[%dma_wait3A_130] : memref<3145728xf32, #tpu.memory_space<hbm>> -> memref<1024xf32, #tpu.memory_space<hbm>>
      %dma_wait3A_132 = arith.constant 0 : i32
      %dma_wait3A_133 = tpu.memref_slice %arg2[%dma_wait3A_132] : memref<3145728xf32, #tpu.memory_space<hbm>> -> memref<1024xf32, #tpu.memory_space<hbm>>
      tpu.wait_dma2 semaphore(%arg20 : memref<!tpu.dma_semaphore, #tpu.memory_space<semaphore_mem>>) src(%dma_wait3A_133 : memref<1024xf32, #tpu.memory_space<hbm>>) dst(%arg10 : memref<1024xf32, #tpu.memory_space<vmem>>)
      %ge3A = arith.constant 2 : i32
      %ge3A_134 = arith.cmpi sge, %add3A_105, %ge3A : i32
      %convert_element_type3A = arith.extui %ge3A_134 : i1 to i32
      %cond3A = arith.constant 0 : i32
      %cond3A_135 = arith.cmpi ne, %convert_element_type3A, %cond3A : i32
      scf.if %cond3A_135 {
        %dma_wait3A_195 = arith.constant 0 : i32
        %dma_wait3A_196 = tpu.memref_slice %arg4[%dma_wait3A_195] : memref<3145728xf32, #tpu.memory_space<hbm>> -> memref<1024xf32, #tpu.memory_space<hbm>>
        %dma_wait3A_197 = arith.constant 0 : i32
        %dma_wait3A_198 = tpu.memref_slice %arg4[%dma_wait3A_197] : memref<3145728xf32, #tpu.memory_space<hbm>> -> memref<1024xf32, #tpu.memory_space<hbm>>
        tpu.wait_dma2 semaphore(%arg22 : memref<!tpu.dma_semaphore, #tpu.memory_space<semaphore_mem>>) src(%arg11 : memref<1024xf32, #tpu.memory_space<vmem>>) dst(%dma_wait3A_198 : memref<1024xf32, #tpu.memory_space<hbm>>)
        %dma_wait3A_199 = arith.constant 0 : i32
        %dma_wait3A_200 = tpu.memref_slice %arg4[%dma_wait3A_199] : memref<3145728xf32, #tpu.memory_space<hbm>> -> memref<1024xf32, #tpu.memory_space<hbm>>
        %dma_wait3A_201 = arith.constant 0 : i32
        %dma_wait3A_202 = tpu.memref_slice %arg4[%dma_wait3A_201] : memref<3145728xf32, #tpu.memory_space<hbm>> -> memref<1024xf32, #tpu.memory_space<hbm>>
        tpu.wait_dma2 semaphore(%arg22 : memref<!tpu.dma_semaphore, #tpu.memory_space<semaphore_mem>>) src(%arg12 : memref<1024xf32, #tpu.memory_space<vmem>>) dst(%dma_wait3A_202 : memref<1024xf32, #tpu.memory_space<hbm>>)
        %dma_wait3A_203 = arith.constant 0 : i32
        %dma_wait3A_204 = tpu.memref_slice %arg4[%dma_wait3A_203] : memref<3145728xf32, #tpu.memory_space<hbm>> -> memref<1024xf32, #tpu.memory_space<hbm>>
        %dma_wait3A_205 = arith.constant 0 : i32
        %dma_wait3A_206 = tpu.memref_slice %arg4[%dma_wait3A_205] : memref<3145728xf32, #tpu.memory_space<hbm>> -> memref<1024xf32, #tpu.memory_space<hbm>>
        tpu.wait_dma2 semaphore(%arg22 : memref<!tpu.dma_semaphore, #tpu.memory_space<semaphore_mem>>) src(%arg13 : memref<1024xf32, #tpu.memory_space<vmem>>) dst(%dma_wait3A_206 : memref<1024xf32, #tpu.memory_space<hbm>>)
      } else {
      }
      %parallel_loop3A = arith.constant 0 : i32
      %parallel_loop3A_136 = arith.constant 1024 : i32
      %parallel_loop3A_137 = arith.constant 16 : i32
      scf.for %parallel_loop3A_195 = %parallel_loop3A to %parallel_loop3A_136 step %parallel_loop3A_137  : i32 {
        %parallel_loop3A_196 = tpu.assume_multiple %parallel_loop3A_195, 16 : i32
        %parallel_loop3A_197 = arith.index_cast %parallel_loop3A_196 : i32 to index
        %parallel_loop3A_198 = tpu.vector_load %arg8[%parallel_loop3A_197] {strides = array<i32>} : memref<1024xf32, #tpu.memory_space<vmem>>, vector<16xf32>,
        %parallel_loop3A_199 = arith.constant 3.200000e+01 : f32
        %parallel_loop3A_200 = vector.broadcast %parallel_loop3A_199 : f32 to vector<16xf32>
        %parallel_loop3A_201 = arith.mulf %parallel_loop3A_198, %parallel_loop3A_200 : vector<16xf32>
        %parallel_loop3A_202 = arith.constant 0.000000e+00 : f32
        %parallel_loop3A_203 = vector.broadcast %parallel_loop3A_202 : f32 to vector<16xf32>
        %parallel_loop3A_204 = arith.maximumf %parallel_loop3A_201, %parallel_loop3A_203 : vector<16xf32>
        %parallel_loop3A_205 = arith.constant 31.9999981 : f32
        %parallel_loop3A_206 = vector.broadcast %parallel_loop3A_205 : f32 to vector<16xf32>
        %parallel_loop3A_207 = arith.minimumf %parallel_loop3A_204, %parallel_loop3A_206 : vector<16xf32>
        %parallel_loop3A_208 = arith.fptosi %parallel_loop3A_207 : vector<16xf32> to vector<16xi32>
        %parallel_loop3A_209 = arith.sitofp %parallel_loop3A_208 : vector<16xi32> to vector<16xf32>
        %parallel_loop3A_210 = arith.subf %parallel_loop3A_207, %parallel_loop3A_209 : vector<16xf32>
        %parallel_loop3A_211 = arith.index_cast %parallel_loop3A_196 : i32 to index
        %parallel_loop3A_212 = tpu.vector_load %arg9[%parallel_loop3A_211] {strides = array<i32>} : memref<1024xf32, #tpu.memory_space<vmem>>, vector<16xf32>,
        %parallel_loop3A_213 = arith.constant 3.200000e+01 : f32
        %parallel_loop3A_214 = vector.broadcast %parallel_loop3A_213 : f32 to vector<16xf32>
        %parallel_loop3A_215 = arith.mulf %parallel_loop3A_212, %parallel_loop3A_214 : vector<16xf32>
        %parallel_loop3A_216 = arith.constant 0.000000e+00 : f32
        %parallel_loop3A_217 = vector.broadcast %parallel_loop3A_216 : f32 to vector<16xf32>
        %parallel_loop3A_218 = arith.maximumf %parallel_loop3A_215, %parallel_loop3A_217 : vector<16xf32>
        %parallel_loop3A_219 = arith.constant 31.9999981 : f32
        %parallel_loop3A_220 = vector.broadcast %parallel_loop3A_219 : f32 to vector<16xf32>
        %parallel_loop3A_221 = arith.minimumf %parallel_loop3A_218, %parallel_loop3A_220 : vector<16xf32>
        %parallel_loop3A_222 = arith.fptosi %parallel_loop3A_221 : vector<16xf32> to vector<16xi32>
        %parallel_loop3A_223 = arith.sitofp %parallel_loop3A_222 : vector<16xi32> to vector<16xf32>
        %parallel_loop3A_224 = arith.subf %parallel_loop3A_221, %parallel_loop3A_223 : vector<16xf32>
        %parallel_loop3A_225 = arith.index_cast %parallel_loop3A_196 : i32 to index
        %parallel_loop3A_226 = tpu.vector_load %arg10[%parallel_loop3A_225] {strides = array<i32>} : memref<1024xf32, #tpu.memory_space<vmem>>, vector<16xf32>,
        %parallel_loop3A_227 = arith.constant 3.200000e+01 : f32
        %parallel_loop3A_228 = vector.broadcast %parallel_loop3A_227 : f32 to vector<16xf32>
        %parallel_loop3A_229 = arith.mulf %parallel_loop3A_226, %parallel_loop3A_228 : vector<16xf32>
        %parallel_loop3A_230 = arith.constant 0.000000e+00 : f32
        %parallel_loop3A_231 = vector.broadcast %parallel_loop3A_230 : f32 to vector<16xf32>
        %parallel_loop3A_232 = arith.maximumf %parallel_loop3A_229, %parallel_loop3A_231 : vector<16xf32>
        %parallel_loop3A_233 = arith.constant 31.9999981 : f32
        %parallel_loop3A_234 = vector.broadcast %parallel_loop3A_233 : f32 to vector<16xf32>
        %parallel_loop3A_235 = arith.minimumf %parallel_loop3A_232, %parallel_loop3A_234 : vector<16xf32>
        %parallel_loop3A_236 = arith.fptosi %parallel_loop3A_235 : vector<16xf32> to vector<16xi32>
        %parallel_loop3A_237 = arith.sitofp %parallel_loop3A_236 : vector<16xi32> to vector<16xf32>
        %parallel_loop3A_238 = arith.subf %parallel_loop3A_235, %parallel_loop3A_237 : vector<16xf32>
        %parallel_loop3A_239 = arith.constant 33 : i32
        %parallel_loop3A_240 = vector.broadcast %parallel_loop3A_239 : i32 to vector<16xi32>
        %parallel_loop3A_241 = arith.muli %parallel_loop3A_236, %parallel_loop3A_240 : vector<16xi32>
        %parallel_loop3A_242 = arith.addi %parallel_loop3A_241, %parallel_loop3A_222 : vector<16xi32>
        %parallel_loop3A_243 = arith.constant 33 : i32
        %parallel_loop3A_244 = vector.broadcast %parallel_loop3A_243 : i32 to vector<16xi32>
        %parallel_loop3A_245 = arith.muli %parallel_loop3A_242, %parallel_loop3A_244 : vector<16xi32>
        %parallel_loop3A_246 = arith.addi %parallel_loop3A_245, %parallel_loop3A_208 : vector<16xi32>
        %parallel_loop3A_247 = arith.constant 1 : i32
        %parallel_loop3A_248 = vector.broadcast %parallel_loop3A_247 : i32 to vector<16xi32>
        %parallel_loop3A_249 = arith.addi %parallel_loop3A_246, %parallel_loop3A_248 : vector<16xi32>
        %parallel_loop3A_250 = arith.constant 33 : i32
        %parallel_loop3A_251 = vector.broadcast %parallel_loop3A_250 : i32 to vector<16xi32>
        %parallel_loop3A_252 = arith.addi %parallel_loop3A_246, %parallel_loop3A_251 : vector<16xi32>
        %parallel_loop3A_253 = arith.constant 34 : i32
        %parallel_loop3A_254 = vector.broadcast %parallel_loop3A_253 : i32 to vector<16xi32>
        %parallel_loop3A_255 = arith.addi %parallel_loop3A_246, %parallel_loop3A_254 : vector<16xi32>
        %parallel_loop3A_256 = arith.constant 1089 : i32
        %parallel_loop3A_257 = vector.broadcast %parallel_loop3A_256 : i32 to vector<16xi32>
        %parallel_loop3A_258 = arith.addi %parallel_loop3A_246, %parallel_loop3A_257 : vector<16xi32>
        %parallel_loop3A_259 = arith.constant 1090 : i32
        %parallel_loop3A_260 = vector.broadcast %parallel_loop3A_259 : i32 to vector<16xi32>
        %parallel_loop3A_261 = arith.addi %parallel_loop3A_246, %parallel_loop3A_260 : vector<16xi32>
        %parallel_loop3A_262 = arith.constant 1122 : i32
        %parallel_loop3A_263 = vector.broadcast %parallel_loop3A_262 : i32 to vector<16xi32>
        %parallel_loop3A_264 = arith.addi %parallel_loop3A_246, %parallel_loop3A_263 : vector<16xi32>
        %parallel_loop3A_265 = arith.constant 1123 : i32
        %parallel_loop3A_266 = vector.broadcast %parallel_loop3A_265 : i32 to vector<16xi32>
        %parallel_loop3A_267 = arith.addi %parallel_loop3A_246, %parallel_loop3A_266 : vector<16xi32>
        %parallel_loop3A_268 = arith.constant 1.000000e+00 : f32
        %parallel_loop3A_269 = vector.broadcast %parallel_loop3A_268 : f32 to vector<16xf32>
        %parallel_loop3A_270 = arith.subf %parallel_loop3A_269, %parallel_loop3A_210 : vector<16xf32>
        %parallel_loop3A_271 = arith.mulf %parallel_loop3A_210, %parallel_loop3A_224 : vector<16xf32>
        %parallel_loop3A_272 = arith.subf %parallel_loop3A_224, %parallel_loop3A_271 : vector<16xf32>
        %parallel_loop3A_273 = arith.subf %parallel_loop3A_210, %parallel_loop3A_271 : vector<16xf32>
        %parallel_loop3A_274 = arith.subf %parallel_loop3A_270, %parallel_loop3A_272 : vector<16xf32>
        %parallel_loop3A_275 = tpu.vector_load_idx %arg5[%parallel_loop3A_246] : memref<35944xf32, #tpu.memory_space<vmem>>[vector<16xi32>], vector<16xf32>,
        %parallel_loop3A_276 = tpu.vector_load_idx %arg5[%parallel_loop3A_249] : memref<35944xf32, #tpu.memory_space<vmem>>[vector<16xi32>], vector<16xf32>,
        %parallel_loop3A_277 = tpu.vector_load_idx %arg5[%parallel_loop3A_252] : memref<35944xf32, #tpu.memory_space<vmem>>[vector<16xi32>], vector<16xf32>,
        %parallel_loop3A_278 = tpu.vector_load_idx %arg5[%parallel_loop3A_255] : memref<35944xf32, #tpu.memory_space<vmem>>[vector<16xi32>], vector<16xf32>,
        %parallel_loop3A_279 = tpu.vector_load_idx %arg5[%parallel_loop3A_258] : memref<35944xf32, #tpu.memory_space<vmem>>[vector<16xi32>], vector<16xf32>,
        %parallel_loop3A_280 = tpu.vector_load_idx %arg5[%parallel_loop3A_261] : memref<35944xf32, #tpu.memory_space<vmem>>[vector<16xi32>], vector<16xf32>,
        %parallel_loop3A_281 = tpu.vector_load_idx %arg5[%parallel_loop3A_264] : memref<35944xf32, #tpu.memory_space<vmem>>[vector<16xi32>], vector<16xf32>,
        %parallel_loop3A_282 = tpu.vector_load_idx %arg5[%parallel_loop3A_267] : memref<35944xf32, #tpu.memory_space<vmem>>[vector<16xi32>], vector<16xf32>,
        %parallel_loop3A_283 = tpu.vector_load_idx %arg6[%parallel_loop3A_246] : memref<35944xf32, #tpu.memory_space<vmem>>[vector<16xi32>], vector<16xf32>,
        %parallel_loop3A_284 = tpu.vector_load_idx %arg6[%parallel_loop3A_249] : memref<35944xf32, #tpu.memory_space<vmem>>[vector<16xi32>], vector<16xf32>,
        %parallel_loop3A_285 = tpu.vector_load_idx %arg6[%parallel_loop3A_252] : memref<35944xf32, #tpu.memory_space<vmem>>[vector<16xi32>], vector<16xf32>,
        %parallel_loop3A_286 = tpu.vector_load_idx %arg6[%parallel_loop3A_255] : memref<35944xf32, #tpu.memory_space<vmem>>[vector<16xi32>], vector<16xf32>,
        %parallel_loop3A_287 = tpu.vector_load_idx %arg6[%parallel_loop3A_258] : memref<35944xf32, #tpu.memory_space<vmem>>[vector<16xi32>], vector<16xf32>,
        %parallel_loop3A_288 = tpu.vector_load_idx %arg6[%parallel_loop3A_261] : memref<35944xf32, #tpu.memory_space<vmem>>[vector<16xi32>], vector<16xf32>,
        %parallel_loop3A_289 = tpu.vector_load_idx %arg6[%parallel_loop3A_264] : memref<35944xf32, #tpu.memory_space<vmem>>[vector<16xi32>], vector<16xf32>,
        %parallel_loop3A_290 = tpu.vector_load_idx %arg6[%parallel_loop3A_267] : memref<35944xf32, #tpu.memory_space<vmem>>[vector<16xi32>], vector<16xf32>,
        %parallel_loop3A_291 = tpu.vector_load_idx %arg7[%parallel_loop3A_246] : memref<35944xf32, #tpu.memory_space<vmem>>[vector<16xi32>], vector<16xf32>,
        %parallel_loop3A_292 = tpu.vector_load_idx %arg7[%parallel_loop3A_249] : memref<35944xf32, #tpu.memory_space<vmem>>[vector<16xi32>], vector<16xf32>,
        %parallel_loop3A_293 = tpu.vector_load_idx %arg7[%parallel_loop3A_252] : memref<35944xf32, #tpu.memory_space<vmem>>[vector<16xi32>], vector<16xf32>,
        %parallel_loop3A_294 = tpu.vector_load_idx %arg7[%parallel_loop3A_255] : memref<35944xf32, #tpu.memory_space<vmem>>[vector<16xi32>], vector<16xf32>,
        %parallel_loop3A_295 = tpu.vector_load_idx %arg7[%parallel_loop3A_258] : memref<35944xf32, #tpu.memory_space<vmem>>[vector<16xi32>], vector<16xf32>,
        %parallel_loop3A_296 = tpu.vector_load_idx %arg7[%parallel_loop3A_261] : memref<35944xf32, #tpu.memory_space<vmem>>[vector<16xi32>], vector<16xf32>,
        %parallel_loop3A_297 = tpu.vector_load_idx %arg7[%parallel_loop3A_264] : memref<35944xf32, #tpu.memory_space<vmem>>[vector<16xi32>], vector<16xf32>,
        %parallel_loop3A_298 = tpu.vector_load_idx %arg7[%parallel_loop3A_267] : memref<35944xf32, #tpu.memory_space<vmem>>[vector<16xi32>], vector<16xf32>,
        %parallel_loop3A_299 = arith.mulf %parallel_loop3A_274, %parallel_loop3A_275 : vector<16xf32>
        %parallel_loop3A_300 = arith.mulf %parallel_loop3A_273, %parallel_loop3A_276 : vector<16xf32>
        %parallel_loop3A_301 = arith.addf %parallel_loop3A_299, %parallel_loop3A_300 : vector<16xf32>
        %parallel_loop3A_302 = arith.mulf %parallel_loop3A_272, %parallel_loop3A_277 : vector<16xf32>
        %parallel_loop3A_303 = arith.mulf %parallel_loop3A_271, %parallel_loop3A_278 : vector<16xf32>
        %parallel_loop3A_304 = arith.addf %parallel_loop3A_302, %parallel_loop3A_303 : vector<16xf32>
        %parallel_loop3A_305 = arith.addf %parallel_loop3A_301, %parallel_loop3A_304 : vector<16xf32>
        %parallel_loop3A_306 = arith.mulf %parallel_loop3A_274, %parallel_loop3A_279 : vector<16xf32>
        %parallel_loop3A_307 = arith.mulf %parallel_loop3A_273, %parallel_loop3A_280 : vector<16xf32>
        %parallel_loop3A_308 = arith.addf %parallel_loop3A_306, %parallel_loop3A_307 : vector<16xf32>
        %parallel_loop3A_309 = arith.mulf %parallel_loop3A_272, %parallel_loop3A_281 : vector<16xf32>
        %parallel_loop3A_310 = arith.mulf %parallel_loop3A_271, %parallel_loop3A_282 : vector<16xf32>
        %parallel_loop3A_311 = arith.addf %parallel_loop3A_309, %parallel_loop3A_310 : vector<16xf32>
        %parallel_loop3A_312 = arith.addf %parallel_loop3A_308, %parallel_loop3A_311 : vector<16xf32>
        %parallel_loop3A_313 = arith.subf %parallel_loop3A_312, %parallel_loop3A_305 : vector<16xf32>
        %parallel_loop3A_314 = arith.mulf %parallel_loop3A_238, %parallel_loop3A_313 : vector<16xf32>
        %parallel_loop3A_315 = arith.addf %parallel_loop3A_305, %parallel_loop3A_314 : vector<16xf32>
        %parallel_loop3A_316 = arith.index_cast %parallel_loop3A_196 : i32 to index
        %parallel_loop3A_317 = tpu.vector_load %arg11[%parallel_loop3A_316] {strides = array<i32>} : memref<1024xf32, #tpu.memory_space<vmem>>, vector<16xf32>,
        tpu.vector_store %arg11[%parallel_loop3A_316], %parallel_loop3A_315 {strides = array<i32>} : memref<1024xf32, #tpu.memory_space<vmem>>, vector<16xf32>,
        %parallel_loop3A_318 = arith.mulf %parallel_loop3A_274, %parallel_loop3A_283 : vector<16xf32>
        %parallel_loop3A_319 = arith.mulf %parallel_loop3A_273, %parallel_loop3A_284 : vector<16xf32>
        %parallel_loop3A_320 = arith.addf %parallel_loop3A_318, %parallel_loop3A_319 : vector<16xf32>
        %parallel_loop3A_321 = arith.mulf %parallel_loop3A_272, %parallel_loop3A_285 : vector<16xf32>
        %parallel_loop3A_322 = arith.mulf %parallel_loop3A_271, %parallel_loop3A_286 : vector<16xf32>
        %parallel_loop3A_323 = arith.addf %parallel_loop3A_321, %parallel_loop3A_322 : vector<16xf32>
        %parallel_loop3A_324 = arith.addf %parallel_loop3A_320, %parallel_loop3A_323 : vector<16xf32>
        %parallel_loop3A_325 = arith.mulf %parallel_loop3A_274, %parallel_loop3A_287 : vector<16xf32>
        %parallel_loop3A_326 = arith.mulf %parallel_loop3A_273, %parallel_loop3A_288 : vector<16xf32>
        %parallel_loop3A_327 = arith.addf %parallel_loop3A_325, %parallel_loop3A_326 : vector<16xf32>
        %parallel_loop3A_328 = arith.mulf %parallel_loop3A_272, %parallel_loop3A_289 : vector<16xf32>
        %parallel_loop3A_329 = arith.mulf %parallel_loop3A_271, %parallel_loop3A_290 : vector<16xf32>
        %parallel_loop3A_330 = arith.addf %parallel_loop3A_328, %parallel_loop3A_329 : vector<16xf32>
        %parallel_loop3A_331 = arith.addf %parallel_loop3A_327, %parallel_loop3A_330 : vector<16xf32>
        %parallel_loop3A_332 = arith.subf %parallel_loop3A_331, %parallel_loop3A_324 : vector<16xf32>
        %parallel_loop3A_333 = arith.mulf %parallel_loop3A_238, %parallel_loop3A_332 : vector<16xf32>
        %parallel_loop3A_334 = arith.addf %parallel_loop3A_324, %parallel_loop3A_333 : vector<16xf32>
        %parallel_loop3A_335 = arith.index_cast %parallel_loop3A_196 : i32 to index
        %parallel_loop3A_336 = tpu.vector_load %arg12[%parallel_loop3A_335] {strides = array<i32>} : memref<1024xf32, #tpu.memory_space<vmem>>, vector<16xf32>,
        tpu.vector_store %arg12[%parallel_loop3A_335], %parallel_loop3A_334 {strides = array<i32>} : memref<1024xf32, #tpu.memory_space<vmem>>, vector<16xf32>,
        %parallel_loop3A_337 = arith.mulf %parallel_loop3A_274, %parallel_loop3A_291 : vector<16xf32>
        %parallel_loop3A_338 = arith.mulf %parallel_loop3A_273, %parallel_loop3A_292 : vector<16xf32>
        %parallel_loop3A_339 = arith.addf %parallel_loop3A_337, %parallel_loop3A_338 : vector<16xf32>
        %parallel_loop3A_340 = arith.mulf %parallel_loop3A_272, %parallel_loop3A_293 : vector<16xf32>
        %parallel_loop3A_341 = arith.mulf %parallel_loop3A_271, %parallel_loop3A_294 : vector<16xf32>
        %parallel_loop3A_342 = arith.addf %parallel_loop3A_340, %parallel_loop3A_341 : vector<16xf32>
        %parallel_loop3A_343 = arith.addf %parallel_loop3A_339, %parallel_loop3A_342 : vector<16xf32>
        %parallel_loop3A_344 = arith.mulf %parallel_loop3A_274, %parallel_loop3A_295 : vector<16xf32>
        %parallel_loop3A_345 = arith.mulf %parallel_loop3A_273, %parallel_loop3A_296 : vector<16xf32>
        %parallel_loop3A_346 = arith.addf %parallel_loop3A_344, %parallel_loop3A_345 : vector<16xf32>
        %parallel_loop3A_347 = arith.mulf %parallel_loop3A_272, %parallel_loop3A_297 : vector<16xf32>
        %parallel_loop3A_348 = arith.mulf %parallel_loop3A_271, %parallel_loop3A_298 : vector<16xf32>
        %parallel_loop3A_349 = arith.addf %parallel_loop3A_347, %parallel_loop3A_348 : vector<16xf32>
        %parallel_loop3A_350 = arith.addf %parallel_loop3A_346, %parallel_loop3A_349 : vector<16xf32>
        %parallel_loop3A_351 = arith.subf %parallel_loop3A_350, %parallel_loop3A_343 : vector<16xf32>
        %parallel_loop3A_352 = arith.mulf %parallel_loop3A_238, %parallel_loop3A_351 : vector<16xf32>
        %parallel_loop3A_353 = arith.addf %parallel_loop3A_343, %parallel_loop3A_352 : vector<16xf32>
        %parallel_loop3A_354 = arith.index_cast %parallel_loop3A_196 : i32 to index
        %parallel_loop3A_355 = tpu.vector_load %arg13[%parallel_loop3A_354] {strides = array<i32>} : memref<1024xf32, #tpu.memory_space<vmem>>, vector<16xf32>,
        tpu.vector_store %arg13[%parallel_loop3A_354], %parallel_loop3A_353 {strides = array<i32>} : memref<1024xf32, #tpu.memory_space<vmem>>, vector<16xf32>,
      } {sc.loop_unroll_factor = 2 : i64, sc.parallel_access}
      %mul3A_138 = arith.constant 1024 : i32
      %mul3A_139 = arith.muli %add3A_105, %mul3A_138 : i32
      %add3A_140 = arith.addi %add3A_48, %mul3A_139 : i32
      %multiple_of3A_141 = tpu.assume_multiple %add3A_140, 1024 : i32
      %dma_start3A_142 = tpu.memref_slice %arg4[%multiple_of3A_141] : memref<3145728xf32, #tpu.memory_space<hbm>> -> memref<1024xf32, #tpu.memory_space<hbm>>
      %dma_start3A_143 = tpu.memref_slice %arg4[%multiple_of3A_141] : memref<3145728xf32, #tpu.memory_space<hbm>> -> memref<1024xf32, #tpu.memory_space<hbm>>
      tpu.enqueue_dma source(%arg11 : memref<1024xf32, #tpu.memory_space<vmem>>) target(%dma_start3A_143 : memref<1024xf32, #tpu.memory_space<hbm>>) target_semaphore(%arg22 : memref<!tpu.dma_semaphore, #tpu.memory_space<semaphore_mem>>)
      %add3A_144 = arith.constant 262144 : i32
      %add3A_145 = arith.addi %multiple_of3A_141, %add3A_144 : i32
      %dma_start3A_146 = tpu.memref_slice %arg4[%add3A_145] : memref<3145728xf32, #tpu.memory_space<hbm>> -> memref<1024xf32, #tpu.memory_space<hbm>>
      %dma_start3A_147 = tpu.memref_slice %arg4[%add3A_145] : memref<3145728xf32, #tpu.memory_space<hbm>> -> memref<1024xf32, #tpu.memory_space<hbm>>
      tpu.enqueue_dma source(%arg12 : memref<1024xf32, #tpu.memory_space<vmem>>) target(%dma_start3A_147 : memref<1024xf32, #tpu.memory_space<hbm>>) target_semaphore(%arg22 : memref<!tpu.dma_semaphore, #tpu.memory_space<semaphore_mem>>)
      %add3A_148 = arith.constant 524288 : i32
      %add3A_149 = arith.addi %multiple_of3A_141, %add3A_148 : i32
      %dma_start3A_150 = tpu.memref_slice %arg4[%add3A_149] : memref<3145728xf32, #tpu.memory_space<hbm>> -> memref<1024xf32, #tpu.memory_space<hbm>>
      %dma_start3A_151 = tpu.memref_slice %arg4[%add3A_149] : memref<3145728xf32, #tpu.memory_space<hbm>> -> memref<1024xf32, #tpu.memory_space<hbm>>
      tpu.enqueue_dma source(%arg13 : memref<1024xf32, #tpu.memory_space<vmem>>) target(%dma_start3A_151 : memref<1024xf32, #tpu.memory_space<hbm>>) target_semaphore(%arg22 : memref<!tpu.dma_semaphore, #tpu.memory_space<semaphore_mem>>)
      %add3A_152 = arith.constant 2 : i32
      %add3A_153 = arith.addi %add3A_105, %add3A_152 : i32
      %lt3A_154 = arith.constant 32 : i32
      %lt3A_155 = arith.cmpi slt, %add3A_153, %lt3A_154 : i32
      %convert_element_type3A_156 = arith.extui %lt3A_155 : i1 to i32
      %cond3A_157 = arith.constant 0 : i32
      %cond3A_158 = arith.cmpi ne, %convert_element_type3A_156, %cond3A_157 : i32
      scf.if %cond3A_158 {
        %add3A_195 = arith.constant 2 : i32
        %add3A_196 = arith.addi %add3A_105, %add3A_195 : i32
        %mul3A_197 = arith.constant 1024 : i32
        %mul3A_198 = arith.muli %add3A_196, %mul3A_197 : i32
        %add3A_199 = arith.addi %add3A_48, %mul3A_198 : i32
        %multiple_of3A_200 = tpu.assume_multiple %add3A_199, 1024 : i32
        %dma_start3A_201 = tpu.memref_slice %arg2[%multiple_of3A_200] : memref<3145728xf32, #tpu.memory_space<hbm>> -> memref<1024xf32, #tpu.memory_space<hbm>>
        %dma_start3A_202 = tpu.memref_slice %arg2[%multiple_of3A_200] : memref<3145728xf32, #tpu.memory_space<hbm>> -> memref<1024xf32, #tpu.memory_space<hbm>>
        tpu.enqueue_dma source(%dma_start3A_202 : memref<1024xf32, #tpu.memory_space<hbm>>) target(%arg8 : memref<1024xf32, #tpu.memory_space<vmem>>) target_semaphore(%arg20 : memref<!tpu.dma_semaphore, #tpu.memory_space<semaphore_mem>>)
        %add3A_203 = arith.constant 262144 : i32
        %add3A_204 = arith.addi %multiple_of3A_200, %add3A_203 : i32
        %dma_start3A_205 = tpu.memref_slice %arg2[%add3A_204] : memref<3145728xf32, #tpu.memory_space<hbm>> -> memref<1024xf32, #tpu.memory_space<hbm>>
        %dma_start3A_206 = tpu.memref_slice %arg2[%add3A_204] : memref<3145728xf32, #tpu.memory_space<hbm>> -> memref<1024xf32, #tpu.memory_space<hbm>>
        tpu.enqueue_dma source(%dma_start3A_206 : memref<1024xf32, #tpu.memory_space<hbm>>) target(%arg9 : memref<1024xf32, #tpu.memory_space<vmem>>) target_semaphore(%arg20 : memref<!tpu.dma_semaphore, #tpu.memory_space<semaphore_mem>>)
        %add3A_207 = arith.constant 524288 : i32
        %add3A_208 = arith.addi %multiple_of3A_200, %add3A_207 : i32
        %dma_start3A_209 = tpu.memref_slice %arg2[%add3A_208] : memref<3145728xf32, #tpu.memory_space<hbm>> -> memref<1024xf32, #tpu.memory_space<hbm>>
        %dma_start3A_210 = tpu.memref_slice %arg2[%add3A_208] : memref<3145728xf32, #tpu.memory_space<hbm>> -> memref<1024xf32, #tpu.memory_space<hbm>>
        tpu.enqueue_dma source(%dma_start3A_210 : memref<1024xf32, #tpu.memory_space<hbm>>) target(%arg10 : memref<1024xf32, #tpu.memory_space<vmem>>) target_semaphore(%arg20 : memref<!tpu.dma_semaphore, #tpu.memory_space<semaphore_mem>>)
      } else {
      }
      %dma_wait3A_159 = arith.constant 0 : i32
      %dma_wait3A_160 = tpu.memref_slice %arg2[%dma_wait3A_159] : memref<3145728xf32, #tpu.memory_space<hbm>> -> memref<1024xf32, #tpu.memory_space<hbm>>
      %dma_wait3A_161 = arith.constant 0 : i32
      %dma_wait3A_162 = tpu.memref_slice %arg2[%dma_wait3A_161] : memref<3145728xf32, #tpu.memory_space<hbm>> -> memref<1024xf32, #tpu.memory_space<hbm>>
      tpu.wait_dma2 semaphore(%arg21 : memref<!tpu.dma_semaphore, #tpu.memory_space<semaphore_mem>>) src(%dma_wait3A_162 : memref<1024xf32, #tpu.memory_space<hbm>>) dst(%arg14 : memref<1024xf32, #tpu.memory_space<vmem>>)
      %dma_wait3A_163 = arith.constant 0 : i32
      %dma_wait3A_164 = tpu.memref_slice %arg2[%dma_wait3A_163] : memref<3145728xf32, #tpu.memory_space<hbm>> -> memref<1024xf32, #tpu.memory_space<hbm>>
      %dma_wait3A_165 = arith.constant 0 : i32
      %dma_wait3A_166 = tpu.memref_slice %arg2[%dma_wait3A_165] : memref<3145728xf32, #tpu.memory_space<hbm>> -> memref<1024xf32, #tpu.memory_space<hbm>>
      tpu.wait_dma2 semaphore(%arg21 : memref<!tpu.dma_semaphore, #tpu.memory_space<semaphore_mem>>) src(%dma_wait3A_166 : memref<1024xf32, #tpu.memory_space<hbm>>) dst(%arg15 : memref<1024xf32, #tpu.memory_space<vmem>>)
      %dma_wait3A_167 = arith.constant 0 : i32
      %dma_wait3A_168 = tpu.memref_slice %arg2[%dma_wait3A_167] : memref<3145728xf32, #tpu.memory_space<hbm>> -> memref<1024xf32, #tpu.memory_space<hbm>>
      %dma_wait3A_169 = arith.constant 0 : i32
      %dma_wait3A_170 = tpu.memref_slice %arg2[%dma_wait3A_169] : memref<3145728xf32, #tpu.memory_space<hbm>> -> memref<1024xf32, #tpu.memory_space<hbm>>
      tpu.wait_dma2 semaphore(%arg21 : memref<!tpu.dma_semaphore, #tpu.memory_space<semaphore_mem>>) src(%dma_wait3A_170 : memref<1024xf32, #tpu.memory_space<hbm>>) dst(%arg16 : memref<1024xf32, #tpu.memory_space<vmem>>)
      %ge3A_171 = arith.constant 2 : i32
      %ge3A_172 = arith.cmpi sge, %add3A_105, %ge3A_171 : i32
      %convert_element_type3A_173 = arith.extui %ge3A_172 : i1 to i32
      %cond3A_174 = arith.constant 0 : i32
      %cond3A_175 = arith.cmpi ne, %convert_element_type3A_173, %cond3A_174 : i32
      scf.if %cond3A_175 {
        %dma_wait3A_195 = arith.constant 0 : i32
        %dma_wait3A_196 = tpu.memref_slice %arg4[%dma_wait3A_195] : memref<3145728xf32, #tpu.memory_space<hbm>> -> memref<1024xf32, #tpu.memory_space<hbm>>
        %dma_wait3A_197 = arith.constant 0 : i32
        %dma_wait3A_198 = tpu.memref_slice %arg4[%dma_wait3A_197] : memref<3145728xf32, #tpu.memory_space<hbm>> -> memref<1024xf32, #tpu.memory_space<hbm>>
        tpu.wait_dma2 semaphore(%arg23 : memref<!tpu.dma_semaphore, #tpu.memory_space<semaphore_mem>>) src(%arg17 : memref<1024xf32, #tpu.memory_space<vmem>>) dst(%dma_wait3A_198 : memref<1024xf32, #tpu.memory_space<hbm>>)
        %dma_wait3A_199 = arith.constant 0 : i32
        %dma_wait3A_200 = tpu.memref_slice %arg4[%dma_wait3A_199] : memref<3145728xf32, #tpu.memory_space<hbm>> -> memref<1024xf32, #tpu.memory_space<hbm>>
        %dma_wait3A_201 = arith.constant 0 : i32
        %dma_wait3A_202 = tpu.memref_slice %arg4[%dma_wait3A_201] : memref<3145728xf32, #tpu.memory_space<hbm>> -> memref<1024xf32, #tpu.memory_space<hbm>>
        tpu.wait_dma2 semaphore(%arg23 : memref<!tpu.dma_semaphore, #tpu.memory_space<semaphore_mem>>) src(%arg18 : memref<1024xf32, #tpu.memory_space<vmem>>) dst(%dma_wait3A_202 : memref<1024xf32, #tpu.memory_space<hbm>>)
        %dma_wait3A_203 = arith.constant 0 : i32
        %dma_wait3A_204 = tpu.memref_slice %arg4[%dma_wait3A_203] : memref<3145728xf32, #tpu.memory_space<hbm>> -> memref<1024xf32, #tpu.memory_space<hbm>>
        %dma_wait3A_205 = arith.constant 0 : i32
        %dma_wait3A_206 = tpu.memref_slice %arg4[%dma_wait3A_205] : memref<3145728xf32, #tpu.memory_space<hbm>> -> memref<1024xf32, #tpu.memory_space<hbm>>
        tpu.wait_dma2 semaphore(%arg23 : memref<!tpu.dma_semaphore, #tpu.memory_space<semaphore_mem>>) src(%arg19 : memref<1024xf32, #tpu.memory_space<vmem>>) dst(%dma_wait3A_206 : memref<1024xf32, #tpu.memory_space<hbm>>)
      } else {
      }
      %parallel_loop3A_176 = arith.constant 0 : i32
      %parallel_loop3A_177 = arith.constant 1024 : i32
      %parallel_loop3A_178 = arith.constant 16 : i32
      scf.for %parallel_loop3A_195 = %parallel_loop3A_176 to %parallel_loop3A_177 step %parallel_loop3A_178  : i32 {
        %parallel_loop3A_196 = tpu.assume_multiple %parallel_loop3A_195, 16 : i32
        %parallel_loop3A_197 = arith.index_cast %parallel_loop3A_196 : i32 to index
        %parallel_loop3A_198 = tpu.vector_load %arg14[%parallel_loop3A_197] {strides = array<i32>} : memref<1024xf32, #tpu.memory_space<vmem>>, vector<16xf32>,
        %parallel_loop3A_199 = arith.constant 3.200000e+01 : f32
        %parallel_loop3A_200 = vector.broadcast %parallel_loop3A_199 : f32 to vector<16xf32>
        %parallel_loop3A_201 = arith.mulf %parallel_loop3A_198, %parallel_loop3A_200 : vector<16xf32>
        %parallel_loop3A_202 = arith.constant 0.000000e+00 : f32
        %parallel_loop3A_203 = vector.broadcast %parallel_loop3A_202 : f32 to vector<16xf32>
        %parallel_loop3A_204 = arith.maximumf %parallel_loop3A_201, %parallel_loop3A_203 : vector<16xf32>
        %parallel_loop3A_205 = arith.constant 31.9999981 : f32
        %parallel_loop3A_206 = vector.broadcast %parallel_loop3A_205 : f32 to vector<16xf32>
        %parallel_loop3A_207 = arith.minimumf %parallel_loop3A_204, %parallel_loop3A_206 : vector<16xf32>
        %parallel_loop3A_208 = arith.fptosi %parallel_loop3A_207 : vector<16xf32> to vector<16xi32>
        %parallel_loop3A_209 = arith.sitofp %parallel_loop3A_208 : vector<16xi32> to vector<16xf32>
        %parallel_loop3A_210 = arith.subf %parallel_loop3A_207, %parallel_loop3A_209 : vector<16xf32>
        %parallel_loop3A_211 = arith.index_cast %parallel_loop3A_196 : i32 to index
        %parallel_loop3A_212 = tpu.vector_load %arg15[%parallel_loop3A_211] {strides = array<i32>} : memref<1024xf32, #tpu.memory_space<vmem>>, vector<16xf32>,
        %parallel_loop3A_213 = arith.constant 3.200000e+01 : f32
        %parallel_loop3A_214 = vector.broadcast %parallel_loop3A_213 : f32 to vector<16xf32>
        %parallel_loop3A_215 = arith.mulf %parallel_loop3A_212, %parallel_loop3A_214 : vector<16xf32>
        %parallel_loop3A_216 = arith.constant 0.000000e+00 : f32
        %parallel_loop3A_217 = vector.broadcast %parallel_loop3A_216 : f32 to vector<16xf32>
        %parallel_loop3A_218 = arith.maximumf %parallel_loop3A_215, %parallel_loop3A_217 : vector<16xf32>
        %parallel_loop3A_219 = arith.constant 31.9999981 : f32
        %parallel_loop3A_220 = vector.broadcast %parallel_loop3A_219 : f32 to vector<16xf32>
        %parallel_loop3A_221 = arith.minimumf %parallel_loop3A_218, %parallel_loop3A_220 : vector<16xf32>
        %parallel_loop3A_222 = arith.fptosi %parallel_loop3A_221 : vector<16xf32> to vector<16xi32>
        %parallel_loop3A_223 = arith.sitofp %parallel_loop3A_222 : vector<16xi32> to vector<16xf32>
        %parallel_loop3A_224 = arith.subf %parallel_loop3A_221, %parallel_loop3A_223 : vector<16xf32>
        %parallel_loop3A_225 = arith.index_cast %parallel_loop3A_196 : i32 to index
        %parallel_loop3A_226 = tpu.vector_load %arg16[%parallel_loop3A_225] {strides = array<i32>} : memref<1024xf32, #tpu.memory_space<vmem>>, vector<16xf32>,
        %parallel_loop3A_227 = arith.constant 3.200000e+01 : f32
        %parallel_loop3A_228 = vector.broadcast %parallel_loop3A_227 : f32 to vector<16xf32>
        %parallel_loop3A_229 = arith.mulf %parallel_loop3A_226, %parallel_loop3A_228 : vector<16xf32>
        %parallel_loop3A_230 = arith.constant 0.000000e+00 : f32
        %parallel_loop3A_231 = vector.broadcast %parallel_loop3A_230 : f32 to vector<16xf32>
        %parallel_loop3A_232 = arith.maximumf %parallel_loop3A_229, %parallel_loop3A_231 : vector<16xf32>
        %parallel_loop3A_233 = arith.constant 31.9999981 : f32
        %parallel_loop3A_234 = vector.broadcast %parallel_loop3A_233 : f32 to vector<16xf32>
        %parallel_loop3A_235 = arith.minimumf %parallel_loop3A_232, %parallel_loop3A_234 : vector<16xf32>
        %parallel_loop3A_236 = arith.fptosi %parallel_loop3A_235 : vector<16xf32> to vector<16xi32>
        %parallel_loop3A_237 = arith.sitofp %parallel_loop3A_236 : vector<16xi32> to vector<16xf32>
        %parallel_loop3A_238 = arith.subf %parallel_loop3A_235, %parallel_loop3A_237 : vector<16xf32>
        %parallel_loop3A_239 = arith.constant 33 : i32
        %parallel_loop3A_240 = vector.broadcast %parallel_loop3A_239 : i32 to vector<16xi32>
        %parallel_loop3A_241 = arith.muli %parallel_loop3A_236, %parallel_loop3A_240 : vector<16xi32>
        %parallel_loop3A_242 = arith.addi %parallel_loop3A_241, %parallel_loop3A_222 : vector<16xi32>
        %parallel_loop3A_243 = arith.constant 33 : i32
        %parallel_loop3A_244 = vector.broadcast %parallel_loop3A_243 : i32 to vector<16xi32>
        %parallel_loop3A_245 = arith.muli %parallel_loop3A_242, %parallel_loop3A_244 : vector<16xi32>
        %parallel_loop3A_246 = arith.addi %parallel_loop3A_245, %parallel_loop3A_208 : vector<16xi32>
        %parallel_loop3A_247 = arith.constant 1 : i32
        %parallel_loop3A_248 = vector.broadcast %parallel_loop3A_247 : i32 to vector<16xi32>
        %parallel_loop3A_249 = arith.addi %parallel_loop3A_246, %parallel_loop3A_248 : vector<16xi32>
        %parallel_loop3A_250 = arith.constant 33 : i32
        %parallel_loop3A_251 = vector.broadcast %parallel_loop3A_250 : i32 to vector<16xi32>
        %parallel_loop3A_252 = arith.addi %parallel_loop3A_246, %parallel_loop3A_251 : vector<16xi32>
        %parallel_loop3A_253 = arith.constant 34 : i32
        %parallel_loop3A_254 = vector.broadcast %parallel_loop3A_253 : i32 to vector<16xi32>
        %parallel_loop3A_255 = arith.addi %parallel_loop3A_246, %parallel_loop3A_254 : vector<16xi32>
        %parallel_loop3A_256 = arith.constant 1089 : i32
        %parallel_loop3A_257 = vector.broadcast %parallel_loop3A_256 : i32 to vector<16xi32>
        %parallel_loop3A_258 = arith.addi %parallel_loop3A_246, %parallel_loop3A_257 : vector<16xi32>
        %parallel_loop3A_259 = arith.constant 1090 : i32
        %parallel_loop3A_260 = vector.broadcast %parallel_loop3A_259 : i32 to vector<16xi32>
        %parallel_loop3A_261 = arith.addi %parallel_loop3A_246, %parallel_loop3A_260 : vector<16xi32>
        %parallel_loop3A_262 = arith.constant 1122 : i32
        %parallel_loop3A_263 = vector.broadcast %parallel_loop3A_262 : i32 to vector<16xi32>
        %parallel_loop3A_264 = arith.addi %parallel_loop3A_246, %parallel_loop3A_263 : vector<16xi32>
        %parallel_loop3A_265 = arith.constant 1123 : i32
        %parallel_loop3A_266 = vector.broadcast %parallel_loop3A_265 : i32 to vector<16xi32>
        %parallel_loop3A_267 = arith.addi %parallel_loop3A_246, %parallel_loop3A_266 : vector<16xi32>
        %parallel_loop3A_268 = arith.constant 1.000000e+00 : f32
        %parallel_loop3A_269 = vector.broadcast %parallel_loop3A_268 : f32 to vector<16xf32>
        %parallel_loop3A_270 = arith.subf %parallel_loop3A_269, %parallel_loop3A_210 : vector<16xf32>
        %parallel_loop3A_271 = arith.mulf %parallel_loop3A_210, %parallel_loop3A_224 : vector<16xf32>
        %parallel_loop3A_272 = arith.subf %parallel_loop3A_224, %parallel_loop3A_271 : vector<16xf32>
        %parallel_loop3A_273 = arith.subf %parallel_loop3A_210, %parallel_loop3A_271 : vector<16xf32>
        %parallel_loop3A_274 = arith.subf %parallel_loop3A_270, %parallel_loop3A_272 : vector<16xf32>
        %parallel_loop3A_275 = tpu.vector_load_idx %arg5[%parallel_loop3A_246] : memref<35944xf32, #tpu.memory_space<vmem>>[vector<16xi32>], vector<16xf32>,
        %parallel_loop3A_276 = tpu.vector_load_idx %arg5[%parallel_loop3A_249] : memref<35944xf32, #tpu.memory_space<vmem>>[vector<16xi32>], vector<16xf32>,
        %parallel_loop3A_277 = tpu.vector_load_idx %arg5[%parallel_loop3A_252] : memref<35944xf32, #tpu.memory_space<vmem>>[vector<16xi32>], vector<16xf32>,
        %parallel_loop3A_278 = tpu.vector_load_idx %arg5[%parallel_loop3A_255] : memref<35944xf32, #tpu.memory_space<vmem>>[vector<16xi32>], vector<16xf32>,
        %parallel_loop3A_279 = tpu.vector_load_idx %arg5[%parallel_loop3A_258] : memref<35944xf32, #tpu.memory_space<vmem>>[vector<16xi32>], vector<16xf32>,
        %parallel_loop3A_280 = tpu.vector_load_idx %arg5[%parallel_loop3A_261] : memref<35944xf32, #tpu.memory_space<vmem>>[vector<16xi32>], vector<16xf32>,
        %parallel_loop3A_281 = tpu.vector_load_idx %arg5[%parallel_loop3A_264] : memref<35944xf32, #tpu.memory_space<vmem>>[vector<16xi32>], vector<16xf32>,
        %parallel_loop3A_282 = tpu.vector_load_idx %arg5[%parallel_loop3A_267] : memref<35944xf32, #tpu.memory_space<vmem>>[vector<16xi32>], vector<16xf32>,
        %parallel_loop3A_283 = tpu.vector_load_idx %arg6[%parallel_loop3A_246] : memref<35944xf32, #tpu.memory_space<vmem>>[vector<16xi32>], vector<16xf32>,
        %parallel_loop3A_284 = tpu.vector_load_idx %arg6[%parallel_loop3A_249] : memref<35944xf32, #tpu.memory_space<vmem>>[vector<16xi32>], vector<16xf32>,
        %parallel_loop3A_285 = tpu.vector_load_idx %arg6[%parallel_loop3A_252] : memref<35944xf32, #tpu.memory_space<vmem>>[vector<16xi32>], vector<16xf32>,
        %parallel_loop3A_286 = tpu.vector_load_idx %arg6[%parallel_loop3A_255] : memref<35944xf32, #tpu.memory_space<vmem>>[vector<16xi32>], vector<16xf32>,
        %parallel_loop3A_287 = tpu.vector_load_idx %arg6[%parallel_loop3A_258] : memref<35944xf32, #tpu.memory_space<vmem>>[vector<16xi32>], vector<16xf32>,
        %parallel_loop3A_288 = tpu.vector_load_idx %arg6[%parallel_loop3A_261] : memref<35944xf32, #tpu.memory_space<vmem>>[vector<16xi32>], vector<16xf32>,
        %parallel_loop3A_289 = tpu.vector_load_idx %arg6[%parallel_loop3A_264] : memref<35944xf32, #tpu.memory_space<vmem>>[vector<16xi32>], vector<16xf32>,
        %parallel_loop3A_290 = tpu.vector_load_idx %arg6[%parallel_loop3A_267] : memref<35944xf32, #tpu.memory_space<vmem>>[vector<16xi32>], vector<16xf32>,
        %parallel_loop3A_291 = tpu.vector_load_idx %arg7[%parallel_loop3A_246] : memref<35944xf32, #tpu.memory_space<vmem>>[vector<16xi32>], vector<16xf32>,
        %parallel_loop3A_292 = tpu.vector_load_idx %arg7[%parallel_loop3A_249] : memref<35944xf32, #tpu.memory_space<vmem>>[vector<16xi32>], vector<16xf32>,
        %parallel_loop3A_293 = tpu.vector_load_idx %arg7[%parallel_loop3A_252] : memref<35944xf32, #tpu.memory_space<vmem>>[vector<16xi32>], vector<16xf32>,
        %parallel_loop3A_294 = tpu.vector_load_idx %arg7[%parallel_loop3A_255] : memref<35944xf32, #tpu.memory_space<vmem>>[vector<16xi32>], vector<16xf32>,
        %parallel_loop3A_295 = tpu.vector_load_idx %arg7[%parallel_loop3A_258] : memref<35944xf32, #tpu.memory_space<vmem>>[vector<16xi32>], vector<16xf32>,
        %parallel_loop3A_296 = tpu.vector_load_idx %arg7[%parallel_loop3A_261] : memref<35944xf32, #tpu.memory_space<vmem>>[vector<16xi32>], vector<16xf32>,
        %parallel_loop3A_297 = tpu.vector_load_idx %arg7[%parallel_loop3A_264] : memref<35944xf32, #tpu.memory_space<vmem>>[vector<16xi32>], vector<16xf32>,
        %parallel_loop3A_298 = tpu.vector_load_idx %arg7[%parallel_loop3A_267] : memref<35944xf32, #tpu.memory_space<vmem>>[vector<16xi32>], vector<16xf32>,
        %parallel_loop3A_299 = arith.mulf %parallel_loop3A_274, %parallel_loop3A_275 : vector<16xf32>
        %parallel_loop3A_300 = arith.mulf %parallel_loop3A_273, %parallel_loop3A_276 : vector<16xf32>
        %parallel_loop3A_301 = arith.addf %parallel_loop3A_299, %parallel_loop3A_300 : vector<16xf32>
        %parallel_loop3A_302 = arith.mulf %parallel_loop3A_272, %parallel_loop3A_277 : vector<16xf32>
        %parallel_loop3A_303 = arith.mulf %parallel_loop3A_271, %parallel_loop3A_278 : vector<16xf32>
        %parallel_loop3A_304 = arith.addf %parallel_loop3A_302, %parallel_loop3A_303 : vector<16xf32>
        %parallel_loop3A_305 = arith.addf %parallel_loop3A_301, %parallel_loop3A_304 : vector<16xf32>
        %parallel_loop3A_306 = arith.mulf %parallel_loop3A_274, %parallel_loop3A_279 : vector<16xf32>
        %parallel_loop3A_307 = arith.mulf %parallel_loop3A_273, %parallel_loop3A_280 : vector<16xf32>
        %parallel_loop3A_308 = arith.addf %parallel_loop3A_306, %parallel_loop3A_307 : vector<16xf32>
        %parallel_loop3A_309 = arith.mulf %parallel_loop3A_272, %parallel_loop3A_281 : vector<16xf32>
        %parallel_loop3A_310 = arith.mulf %parallel_loop3A_271, %parallel_loop3A_282 : vector<16xf32>
        %parallel_loop3A_311 = arith.addf %parallel_loop3A_309, %parallel_loop3A_310 : vector<16xf32>
        %parallel_loop3A_312 = arith.addf %parallel_loop3A_308, %parallel_loop3A_311 : vector<16xf32>
        %parallel_loop3A_313 = arith.subf %parallel_loop3A_312, %parallel_loop3A_305 : vector<16xf32>
        %parallel_loop3A_314 = arith.mulf %parallel_loop3A_238, %parallel_loop3A_313 : vector<16xf32>
        %parallel_loop3A_315 = arith.addf %parallel_loop3A_305, %parallel_loop3A_314 : vector<16xf32>
        %parallel_loop3A_316 = arith.index_cast %parallel_loop3A_196 : i32 to index
        %parallel_loop3A_317 = tpu.vector_load %arg17[%parallel_loop3A_316] {strides = array<i32>} : memref<1024xf32, #tpu.memory_space<vmem>>, vector<16xf32>,
        tpu.vector_store %arg17[%parallel_loop3A_316], %parallel_loop3A_315 {strides = array<i32>} : memref<1024xf32, #tpu.memory_space<vmem>>, vector<16xf32>,
        %parallel_loop3A_318 = arith.mulf %parallel_loop3A_274, %parallel_loop3A_283 : vector<16xf32>
        %parallel_loop3A_319 = arith.mulf %parallel_loop3A_273, %parallel_loop3A_284 : vector<16xf32>
        %parallel_loop3A_320 = arith.addf %parallel_loop3A_318, %parallel_loop3A_319 : vector<16xf32>
        %parallel_loop3A_321 = arith.mulf %parallel_loop3A_272, %parallel_loop3A_285 : vector<16xf32>
        %parallel_loop3A_322 = arith.mulf %parallel_loop3A_271, %parallel_loop3A_286 : vector<16xf32>
        %parallel_loop3A_323 = arith.addf %parallel_loop3A_321, %parallel_loop3A_322 : vector<16xf32>
        %parallel_loop3A_324 = arith.addf %parallel_loop3A_320, %parallel_loop3A_323 : vector<16xf32>
        %parallel_loop3A_325 = arith.mulf %parallel_loop3A_274, %parallel_loop3A_287 : vector<16xf32>
        %parallel_loop3A_326 = arith.mulf %parallel_loop3A_273, %parallel_loop3A_288 : vector<16xf32>
        %parallel_loop3A_327 = arith.addf %parallel_loop3A_325, %parallel_loop3A_326 : vector<16xf32>
        %parallel_loop3A_328 = arith.mulf %parallel_loop3A_272, %parallel_loop3A_289 : vector<16xf32>
        %parallel_loop3A_329 = arith.mulf %parallel_loop3A_271, %parallel_loop3A_290 : vector<16xf32>
        %parallel_loop3A_330 = arith.addf %parallel_loop3A_328, %parallel_loop3A_329 : vector<16xf32>
        %parallel_loop3A_331 = arith.addf %parallel_loop3A_327, %parallel_loop3A_330 : vector<16xf32>
        %parallel_loop3A_332 = arith.subf %parallel_loop3A_331, %parallel_loop3A_324 : vector<16xf32>
        %parallel_loop3A_333 = arith.mulf %parallel_loop3A_238, %parallel_loop3A_332 : vector<16xf32>
        %parallel_loop3A_334 = arith.addf %parallel_loop3A_324, %parallel_loop3A_333 : vector<16xf32>
        %parallel_loop3A_335 = arith.index_cast %parallel_loop3A_196 : i32 to index
        %parallel_loop3A_336 = tpu.vector_load %arg18[%parallel_loop3A_335] {strides = array<i32>} : memref<1024xf32, #tpu.memory_space<vmem>>, vector<16xf32>,
        tpu.vector_store %arg18[%parallel_loop3A_335], %parallel_loop3A_334 {strides = array<i32>} : memref<1024xf32, #tpu.memory_space<vmem>>, vector<16xf32>,
        %parallel_loop3A_337 = arith.mulf %parallel_loop3A_274, %parallel_loop3A_291 : vector<16xf32>
        %parallel_loop3A_338 = arith.mulf %parallel_loop3A_273, %parallel_loop3A_292 : vector<16xf32>
        %parallel_loop3A_339 = arith.addf %parallel_loop3A_337, %parallel_loop3A_338 : vector<16xf32>
        %parallel_loop3A_340 = arith.mulf %parallel_loop3A_272, %parallel_loop3A_293 : vector<16xf32>
        %parallel_loop3A_341 = arith.mulf %parallel_loop3A_271, %parallel_loop3A_294 : vector<16xf32>
        %parallel_loop3A_342 = arith.addf %parallel_loop3A_340, %parallel_loop3A_341 : vector<16xf32>
        %parallel_loop3A_343 = arith.addf %parallel_loop3A_339, %parallel_loop3A_342 : vector<16xf32>
        %parallel_loop3A_344 = arith.mulf %parallel_loop3A_274, %parallel_loop3A_295 : vector<16xf32>
        %parallel_loop3A_345 = arith.mulf %parallel_loop3A_273, %parallel_loop3A_296 : vector<16xf32>
        %parallel_loop3A_346 = arith.addf %parallel_loop3A_344, %parallel_loop3A_345 : vector<16xf32>
        %parallel_loop3A_347 = arith.mulf %parallel_loop3A_272, %parallel_loop3A_297 : vector<16xf32>
        %parallel_loop3A_348 = arith.mulf %parallel_loop3A_271, %parallel_loop3A_298 : vector<16xf32>
        %parallel_loop3A_349 = arith.addf %parallel_loop3A_347, %parallel_loop3A_348 : vector<16xf32>
        %parallel_loop3A_350 = arith.addf %parallel_loop3A_346, %parallel_loop3A_349 : vector<16xf32>
        %parallel_loop3A_351 = arith.subf %parallel_loop3A_350, %parallel_loop3A_343 : vector<16xf32>
        %parallel_loop3A_352 = arith.mulf %parallel_loop3A_238, %parallel_loop3A_351 : vector<16xf32>
        %parallel_loop3A_353 = arith.addf %parallel_loop3A_343, %parallel_loop3A_352 : vector<16xf32>
        %parallel_loop3A_354 = arith.index_cast %parallel_loop3A_196 : i32 to index
        %parallel_loop3A_355 = tpu.vector_load %arg19[%parallel_loop3A_354] {strides = array<i32>} : memref<1024xf32, #tpu.memory_space<vmem>>, vector<16xf32>,
        tpu.vector_store %arg19[%parallel_loop3A_354], %parallel_loop3A_353 {strides = array<i32>} : memref<1024xf32, #tpu.memory_space<vmem>>, vector<16xf32>,
      } {sc.loop_unroll_factor = 2 : i64, sc.parallel_access}
      %add3A_179 = arith.constant 1 : i32
      %add3A_180 = arith.addi %add3A_105, %add3A_179 : i32
      %mul3A_181 = arith.constant 1024 : i32
      %mul3A_182 = arith.muli %add3A_180, %mul3A_181 : i32
      %add3A_183 = arith.addi %add3A_48, %mul3A_182 : i32
      %multiple_of3A_184 = tpu.assume_multiple %add3A_183, 1024 : i32
      %dma_start3A_185 = tpu.memref_slice %arg4[%multiple_of3A_184] : memref<3145728xf32, #tpu.memory_space<hbm>> -> memref<1024xf32, #tpu.memory_space<hbm>>
      %dma_start3A_186 = tpu.memref_slice %arg4[%multiple_of3A_184] : memref<3145728xf32, #tpu.memory_space<hbm>> -> memref<1024xf32, #tpu.memory_space<hbm>>
      tpu.enqueue_dma source(%arg17 : memref<1024xf32, #tpu.memory_space<vmem>>) target(%dma_start3A_186 : memref<1024xf32, #tpu.memory_space<hbm>>) target_semaphore(%arg23 : memref<!tpu.dma_semaphore, #tpu.memory_space<semaphore_mem>>)
      %add3A_187 = arith.constant 262144 : i32
      %add3A_188 = arith.addi %multiple_of3A_184, %add3A_187 : i32
      %dma_start3A_189 = tpu.memref_slice %arg4[%add3A_188] : memref<3145728xf32, #tpu.memory_space<hbm>> -> memref<1024xf32, #tpu.memory_space<hbm>>
      %dma_start3A_190 = tpu.memref_slice %arg4[%add3A_188] : memref<3145728xf32, #tpu.memory_space<hbm>> -> memref<1024xf32, #tpu.memory_space<hbm>>
      tpu.enqueue_dma source(%arg18 : memref<1024xf32, #tpu.memory_space<vmem>>) target(%dma_start3A_190 : memref<1024xf32, #tpu.memory_space<hbm>>) target_semaphore(%arg23 : memref<!tpu.dma_semaphore, #tpu.memory_space<semaphore_mem>>)
      %add3A_191 = arith.constant 524288 : i32
      %add3A_192 = arith.addi %multiple_of3A_184, %add3A_191 : i32
      %dma_start3A_193 = tpu.memref_slice %arg4[%add3A_192] : memref<3145728xf32, #tpu.memory_space<hbm>> -> memref<1024xf32, #tpu.memory_space<hbm>>
      %dma_start3A_194 = tpu.memref_slice %arg4[%add3A_192] : memref<3145728xf32, #tpu.memory_space<hbm>> -> memref<1024xf32, #tpu.memory_space<hbm>>
      tpu.enqueue_dma source(%arg19 : memref<1024xf32, #tpu.memory_space<vmem>>) target(%dma_start3A_194 : memref<1024xf32, #tpu.memory_space<hbm>>) target_semaphore(%arg23 : memref<!tpu.dma_semaphore, #tpu.memory_space<semaphore_mem>>)
    }
    %scan3A_76 = arith.constant 16 : i32
    %dma_wait3A_77 = arith.constant 0 : i32
    %dma_wait3A_78 = tpu.memref_slice %arg4[%dma_wait3A_77] : memref<3145728xf32, #tpu.memory_space<hbm>> -> memref<1024xf32, #tpu.memory_space<hbm>>
    %dma_wait3A_79 = arith.constant 0 : i32
    %dma_wait3A_80 = tpu.memref_slice %arg4[%dma_wait3A_79] : memref<3145728xf32, #tpu.memory_space<hbm>> -> memref<1024xf32, #tpu.memory_space<hbm>>
    tpu.wait_dma2 semaphore(%arg22 : memref<!tpu.dma_semaphore, #tpu.memory_space<semaphore_mem>>) src(%arg11 : memref<1024xf32, #tpu.memory_space<vmem>>) dst(%dma_wait3A_80 : memref<1024xf32, #tpu.memory_space<hbm>>)
    %dma_wait3A_81 = arith.constant 0 : i32
    %dma_wait3A_82 = tpu.memref_slice %arg4[%dma_wait3A_81] : memref<3145728xf32, #tpu.memory_space<hbm>> -> memref<1024xf32, #tpu.memory_space<hbm>>
    %dma_wait3A_83 = arith.constant 0 : i32
    %dma_wait3A_84 = tpu.memref_slice %arg4[%dma_wait3A_83] : memref<3145728xf32, #tpu.memory_space<hbm>> -> memref<1024xf32, #tpu.memory_space<hbm>>
    tpu.wait_dma2 semaphore(%arg22 : memref<!tpu.dma_semaphore, #tpu.memory_space<semaphore_mem>>) src(%arg12 : memref<1024xf32, #tpu.memory_space<vmem>>) dst(%dma_wait3A_84 : memref<1024xf32, #tpu.memory_space<hbm>>)
    %dma_wait3A_85 = arith.constant 0 : i32
    %dma_wait3A_86 = tpu.memref_slice %arg4[%dma_wait3A_85] : memref<3145728xf32, #tpu.memory_space<hbm>> -> memref<1024xf32, #tpu.memory_space<hbm>>
    %dma_wait3A_87 = arith.constant 0 : i32
    %dma_wait3A_88 = tpu.memref_slice %arg4[%dma_wait3A_87] : memref<3145728xf32, #tpu.memory_space<hbm>> -> memref<1024xf32, #tpu.memory_space<hbm>>
    tpu.wait_dma2 semaphore(%arg22 : memref<!tpu.dma_semaphore, #tpu.memory_space<semaphore_mem>>) src(%arg13 : memref<1024xf32, #tpu.memory_space<vmem>>) dst(%dma_wait3A_88 : memref<1024xf32, #tpu.memory_space<hbm>>)
    %dma_wait3A_89 = arith.constant 0 : i32
    %dma_wait3A_90 = tpu.memref_slice %arg4[%dma_wait3A_89] : memref<3145728xf32, #tpu.memory_space<hbm>> -> memref<1024xf32, #tpu.memory_space<hbm>>
    %dma_wait3A_91 = arith.constant 0 : i32
    %dma_wait3A_92 = tpu.memref_slice %arg4[%dma_wait3A_91] : memref<3145728xf32, #tpu.memory_space<hbm>> -> memref<1024xf32, #tpu.memory_space<hbm>>
    tpu.wait_dma2 semaphore(%arg23 : memref<!tpu.dma_semaphore, #tpu.memory_space<semaphore_mem>>) src(%arg17 : memref<1024xf32, #tpu.memory_space<vmem>>) dst(%dma_wait3A_92 : memref<1024xf32, #tpu.memory_space<hbm>>)
    %dma_wait3A_93 = arith.constant 0 : i32
    %dma_wait3A_94 = tpu.memref_slice %arg4[%dma_wait3A_93] : memref<3145728xf32, #tpu.memory_space<hbm>> -> memref<1024xf32, #tpu.memory_space<hbm>>
    %dma_wait3A_95 = arith.constant 0 : i32
    %dma_wait3A_96 = tpu.memref_slice %arg4[%dma_wait3A_95] : memref<3145728xf32, #tpu.memory_space<hbm>> -> memref<1024xf32, #tpu.memory_space<hbm>>
    tpu.wait_dma2 semaphore(%arg23 : memref<!tpu.dma_semaphore, #tpu.memory_space<semaphore_mem>>) src(%arg18 : memref<1024xf32, #tpu.memory_space<vmem>>) dst(%dma_wait3A_96 : memref<1024xf32, #tpu.memory_space<hbm>>)
    %dma_wait3A_97 = arith.constant 0 : i32
    %dma_wait3A_98 = tpu.memref_slice %arg4[%dma_wait3A_97] : memref<3145728xf32, #tpu.memory_space<hbm>> -> memref<1024xf32, #tpu.memory_space<hbm>>
    %dma_wait3A_99 = arith.constant 0 : i32
    %dma_wait3A_100 = tpu.memref_slice %arg4[%dma_wait3A_99] : memref<3145728xf32, #tpu.memory_space<hbm>> -> memref<1024xf32, #tpu.memory_space<hbm>>
    tpu.wait_dma2 semaphore(%arg23 : memref<!tpu.dma_semaphore, #tpu.memory_space<semaphore_mem>>) src(%arg19 : memref<1024xf32, #tpu.memory_space<vmem>>) dst(%dma_wait3A_100 : memref<1024xf32, #tpu.memory_space<hbm>>)
    return
  }
}

</mosaic_0001>

<sc_bundles>
// kernel: kernel.3.cloned.1.call-start
scs
__scs_entry_jumppad:
0x0: {  	(pc) =	sbr.rel $0x88, $3  }
0x1: {  	(tag) =	ssettag $0x0;
	lr =	simm.s32 $0x1  }
0x2: {  	[smem:$0x3F9F] =	sst lr;
	_ =	strace $0xD0000000  }
0x3: {  	_ = 	snop  }
0x4: {  	_ = 	snop  }
0x5: {  	_ = 	snop  }
0x6: {  	_ = 	snop  }
0x7: {  	_ = 	snop  }
__scs_overlays_trampoline_lowered:
0x8: {  	[smem:$0x3FAE] =	sst s0  }
0x9: {  	[smem:$0x3FAF] =	sst s1  }
0xa: {  	[smem:$0x3FB0] =	sst s2  }
0xb: {  	[smem:$0x3FB1] =	sst s3  }
0xc: {  	[smem:$0x3FB2] =	sst s4  }
0xd: {  	[smem:$0x3FB3] =	sst s5  }
0xe: {  	[smem:$0x3FB4] =	sst s6  }
0xf: {  	[smem:$0x3FB5] =	sst s7  }
0x10: {  	[smem:$0x3FB6] =	sst s8  }
0x11: {  	[smem:$0x3FB7] =	sst s9;
	s0 =	simm.s32 @!p0 $0x0  }
0x12: {  	s1 =	sld [smem:$0x3F9D];
	s0 =	simm.s32 @p0 $0x1  }
0x13: {  	[smem:$0x3FB8] =	sst s0;
	s0 =	simm.s32 @!p1 $0x0  }
0x14: {  	s2 =	sld [smem:$0x3F9C];
	s0 =	simm.s32 @p1 $0x1  }
0x15: {  	[smem:$0x3FB9] =	sst s0;
	s0 =	simm.s32 @!p2 $0x0  }
0x16: {  	s3 =	sld [smem:$0x3FDB];
	s0 =	simm.s32 @p2 $0x1  }
0x17: {  	s4 =	simm.s32 $0x1BF5;
	[smem:$0x3FBB] =	sst s0  }
0x18: {  	s0 =	sld [smem:$0x3F9E];
	_ =	swait.ge [sflag:s4], $0x0  }
0x19: {  	s7 =	sld [smem:$0x3F9F]  }
0x1a: {  	s8 =	sadd.s32 $0xFFFFE003, lr  }
0x1b: {  	s9 =	sadd.s32 $0xFFFFFEF7, lr;
	s5 =	simm.s32 $0xFFFFFFFF;
	p2 =	slt.u32 s8, $0xFFFFF086  }
0x1c: {  	p1 =	slt.u32 s9, $0xF7A;
	s5 =	simm.s32 @!p2 $0x0  }
0x1d: {  	s5 =	simm.s32 @p1 $0x1;
	p0 =	seq.s32 s7, s2  }
0x1e: {  	s7 =	smul.u32 @!p0 $0xF7A, s2;
	p2 =	seq.s32 @!p0 s5, $0x0  }
0x1f: {  	s9 =	smul.u32 $0xF7A, s1;
	s8 =	simm.s32 @!p0 $0x1BF5;
	p2 =	por !p2, p0  }
0x20: {  	[sflag:s8] =	ssyncset.s32 @!p0 $0xFFFFF086;
	s6 =	sadd.s32 @!p0 s3, s7;
	s7 =	simm.s32 @!p0 $0x108  }
0x21: {  	s3 =	sadd.s32 s3, s9;
	s6 =	sadd.s32 @!p0 $0x88, s6;
	s7 =	simm.s32 @p2 $0x1082  }
0x22: {  	[simem:s7], [sflag:s8] =	dma.local @!p0 [hbm:s6], $0xF7A  }
0x23: {  	s9 =	sor.u32 $0xD0000000, s2;
	s6 =	simm.s32 $0x108;
	_ =	swait.ge @!p0 [sflag:s8], $0x0  }
0x24: {  	s3 =	sadd.s32 $0x88, s3;
	s6 =	simm.s32 @!p1 $0x1082;
	[sflag:s4] =	ssyncset.s32 $0xFFFFF086  }
0x25: {  	[simem:s6], [sflag:s4] =	dma.local [hbm:s3], $0xF7A  }
0x26: {  	[smem:$0x3F9F] =	sst s1;
	(tag) =	ssettag s2;
	_ =	strace s9  }
0x27: {  	s1 =	sld [smem:$0x3FAF]  }
0x28: {  	s2 =	sld [smem:$0x3FB0]  }
0x29: {  	s4 =	sld [smem:$0x3FB2]  }
0x2a: {  	p0 =	seq.s32 s5, $0x0;
	s5 =	sld [smem:$0x3FB3]  }
0x2b: {  	s6 =	sld [smem:$0x3FB4]  }
0x2c: {  	s7 =	sld [smem:$0x3FB5]  }
0x2d: {  	s3 =	simm.s32 $0x108;
	s8 =	sld [smem:$0x3FB6]  }
0x2e: {  	s3 =	simm.s32 @!p0 $0x1082;
	s9 =	sld [smem:$0x3FB7]  }
0x2f: {  	lr =	sadd.s32 s0, s3;
	s0 =	sld [smem:$0x3FAE]  }
0x30: {  	s3 =	sld [smem:$0x3FB1]  }
0x31: {  	[smem:$0x3FBA] =	sst s10  }
0x32: {  	s10 =	sld [smem:$0x3FB8];
	_ =	sdelay $0x3  }
0x33: {  	p0 =	seq.s32 s10, $0x1;
	s10 =	sld [smem:$0x3FBA];
	_ =	sdelay $0x3  }
0x34: {  	[smem:$0x3FBA] =	sst s10  }
0x35: {  	s10 =	sld [smem:$0x3FB9];
	_ =	sdelay $0x3  }
0x36: {  	p1 =	seq.s32 s10, $0x1;
	s10 =	sld [smem:$0x3FBA];
	_ =	sdelay $0x3  }
0x37: {  	[smem:$0x3FBA] =	sst s10  }
0x38: {  	s10 =	sld [smem:$0x3FBB]  }
0x39: {  	_ = 	snop;
	(pc) =	sbr.ind lr, $3  }
0x3a: {  	_ = 	snop  }
0x3b: {  	_ = 	snop  }
0x3c: {  	p2 =	seq.s32 s10, $0x1;
	s10 =	sld [smem:$0x3FBA]  }
0x3d: {  	_ =	shalt  }
0x3e: {  	_ =	shalt  }
0x3f: {  	_ =	shalt  }
0x40: {  	_ =	shalt  }
0x41: {  	_ =	shalt  }
0x42: {  	_ =	shalt  }
0x43: {  	_ =	shalt  }
0x44: {  	_ =	shalt  }
0x45: {  	_ =	shalt  }
0x46: {  	_ =	shalt  }
0x47: {  	_ =	shalt  }
0x48: {  	_ =	shalt  }
0x49: {  	_ =	shalt  }
0x4a: {  	_ =	shalt  }
0x4b: {  	_ =	shalt  }
0x4c: {  	_ =	shalt  }
0x4d: {  	_ =	shalt  }
0x4e: {  	_ =	shalt  }
0x4f: {  	_ =	shalt  }
0x50: {  	_ =	shalt  }
0x51: {  	_ =	shalt  }
0x52: {  	_ =	shalt  }
0x53: {  	_ =	shalt  }
0x54: {  	_ =	shalt  }
0x55: {  	_ =	shalt  }
0x56: {  	_ =	shalt  }
0x57: {  	_ =	shalt  }
0x58: {  	_ =	shalt  }
0x59: {  	_ =	shalt  }
0x5a: {  	_ =	shalt  }
0x5b: {  	_ =	shalt  }
0x5c: {  	_ =	shalt  }
0x5d: {  	_ =	shalt  }
0x5e: {  	_ =	shalt  }
0x5f: {  	_ =	shalt  }
0x60: {  	_ =	shalt  }
0x61: {  	_ =	shalt  }
0x62: {  	_ =	shalt  }
0x63: {  	_ =	shalt  }
0x64: {  	_ =	shalt  }
0x65: {  	_ =	shalt  }
0x66: {  	_ =	shalt  }
0x67: {  	_ =	shalt  }
0x68: {  	_ =	shalt  }
0x69: {  	_ =	shalt  }
0x6a: {  	_ =	shalt  }
0x6b: {  	_ =	shalt  }
0x6c: {  	_ =	shalt  }
0x6d: {  	_ =	shalt  }
0x6e: {  	_ =	shalt  }
0x6f: {  	_ =	shalt  }
0x70: {  	_ =	shalt  }
0x71: {  	_ =	shalt  }
0x72: {  	_ =	shalt  }
0x73: {  	_ =	shalt  }
0x74: {  	_ =	shalt  }
0x75: {  	_ =	shalt  }
0x76: {  	_ =	shalt  }
0x77: {  	_ =	shalt  }
0x78: {  	_ =	shalt  }
0x79: {  	_ =	shalt  }
0x7a: {  	_ =	shalt  }
0x7b: {  	_ =	shalt  }
0x7c: {  	_ =	shalt  }
0x7d: {  	_ =	shalt  }
0x7e: {  	_ =	shalt  }
0x7f: {  	_ =	shalt  }
0x80: {  	_ =	shalt  }
0x81: {  	_ =	shalt  }
0x82: {  	_ =	shalt  }
0x83: {  	_ =	shalt  }
0x84: {  	_ =	shalt  }
0x85: {  	_ =	shalt  }
0x86: {  	_ =	shalt  }
0x87: {  	_ =	shalt  }
.Lfunc_end0:
.L_simem_size_0:
called_computation_lowered:
.L_overlay_start_0:
0x88: {  	s2 =	sld [smem:$0x3FD9]  }
0x89: {  	s3 =	sld [smem:$0x3FFE];
	_ =	sdelay $0x1  }
0x8a: {  	s1 =	srdreg.scid  }
0x8b: {  	s0 =	sand.u32 $0x1, s1  }
0x8c: {  	s17 =	sshll.u32 s0, $0xA;
	s2 =	sadd.s32 s3, s2  }
0x8d: {  	s2 =	sadd.s32 s2, s17  }
0x8e: {  	[smem:$0x3FC6] =	sst s2  }
0x8f: {  	_ = 	snop  }
0x90: {  	s2 =	sld [smem:$0x3FD0];
	(tm) =	ssettm $0x1  }
0x91: {  	s18 =	sld [smem:$0x3FFB];
	_ =	sdelay $0x3  }
0x92: {  	_ =	strace s18  }
0x93: {  	s3 =	sld [smem:$0x3FFC];
	_ =	sdelay $0x3  }
0x94: {  	_ =	strace s3  }
0x95: {  	s3 =	sld [smem:$0x3FFD];
	_ =	sdelay $0x3  }
0x96: {  	_ =	strace s3  }
0x97: {  	_ =	strace $0x8FFFFFFF  }
0x98: {  	s19 =	sld [smem:$0x3FDB];
	_ =	sdelay $0x1  }
0x99: {  	s4 =	simm.s32 $_scs_section_size  }
0x9a: {  	s5 =	simm.s32 $_size__tile_overlayer_lowered;
	s6 =	simm.s32 $_tile_overlayer_lowered  }
0x9b: {  	s22 =	simm.s32 $0x1BFF;
	s21 =	sshll.u32 s6, $0x1;
	s3 =	sadd.s32 s4, s19  }
0x9c: {  	s7 =	simm.s32 $0x0;
	s20 =	sshll.u32 s5, $0x1;
	s5 =	sadd.s32 s21, s3  }
0x9d: {  	[timem:s7], [sflag:s22] =	dma.local [hbm:s5], s20  }
0x9e: {  	_ =	swait.ge [sflag:s22], s20  }
0x9f: {  	s4 =	ssub.s32 $0x0, s20;
	[sflag:s22] =	ssyncset.done $0x0  }
0xa0: {  	[sflag:s22] =	ssyncadd.s32 s4;
	_ =	sdelay $0x1  }
0xa1: {  	s23 =	simm.s32 $0x1B8B  }
0xa2: {  	_ =	swait.ge [sflag:s23], $0x1  }
0xa3: {  	[sflag:s23] =	ssyncset.done $0x0  }
0xa4: {  	s25 =	simm.s32 $0x1B8E;
	s24 =	sld [smem:$0x3FFE];
	[sflag:s23] =	ssyncadd.s32 $0xFFFFFFFF  }
0xa5: {  	s26 =	simm.s32 $execute0_lowered;
	[smem:$0x3FD2] =	sst s25  }
0xa6: {  	s5 =	sshll.u32 s26, $0x1;
	_ =	strace $0x80000046;
	[dreg:$0x1] =	wrdreg $0xFFFFFFFF  }
0xa7: {  	s28 =	simm.s32 $_size_execute0_lowered;
	s3 =	sadd.s32 s3, s5;
	[dreg:$0x0] =	wrdreg $0x0  }
0xa8: {  	s5 =	sshll.u32 s28, $0x1;
	[dreg:$0x2] =	wrdreg s3  }
0xa9: {  	[dreg:$0x3] =	wrdreg s5  }
0xaa: {  	[dreg:$0x4] =	wrdreg $0xC0  }
0xab: {  	_ =	task [dreg:s7], $0x5FFFF  }
0xac: {  	[dreg:$0x1] =	wrdreg $0xFFFFFFFF  }
0xad: {  	[dreg:$0x0] =	wrdreg $0x60  }
0xae: {  	[dreg:$0x2] =	wrdreg s2  }
0xaf: {  	[dreg:$0x3] =	wrdreg s24  }
0xb0: {  	[dreg:$0x4] =	wrdreg $0x9  }
0xb1: {  	_ =	task.clear_ibuf [dreg:s7], $0x5FFFF;
	_ =	strace $0x90000046  }
0xb2: {  	s29 =	simm.s32 $0x9;
	_ =	strace $0x80000048  }
0xb3: {  	_ =	swait.ge [sflag:s29], $0x1  }
0xb4: {  	[sflag:s29] =	ssyncadd.s32 $0xFFFFFFFF  }
0xb5: {  	_ =	strace $0x90000048  }
0xb6: {  	_ =	sfence  }
0xb7: {  	s30 =	sld [smem:$0x0];
	_ =	sdelay $0x2  }
0xb8: {  	s31 =	sshll.u32 s1, $0xD;
	s1 =	sshrl.u32 s1, $0x2  }
0xb9: {  	s3 =	sand.u32 $0x4000, s31;
	s1 =	sadd.s32 s1, s30  }
0xba: {  	s0 =	sor.u32 s3, s0;
	s1 =	sshll.u32 s1, $0x11  }
0xbb: {  	s0 =	sor.u32 s1, s0  }
0xbc: {  	s0 =	sadd.s32 $0x8F2B, s0  }
0xbd: {  	[sflag:s0] =	ssyncadd.remote.s32 $0x1  }
0xbe: {  	_ =	sfence.sel $0xFFFF  }
0xbf: {  	[dreg:$0x0] =	wrdreg $0xFFFFFFFF;
	(pc) =	sbr.abs _section_cstart, $3  }
0xc0: {  	[dreg:$0x1] =	wrdreg $0xFFFFFFFF  }
0xc1: {  	_ =	task.clear_ibuf [dreg:s7], $0x2FFFF;
	_ =	strace $0x9FFFFFFF  }
0xc2: {  	(tm) =	ssettm $0x7FFFFFFF  }
0xc3: {  	_ =	shalt  }
tec
execute0_lowered:
.L_overlay_start_1:
0x0: {  	(tag) =	ssettag $0x1  }
0x1: {  	s1 =	rddreg [dreg:$0x0]  }
0x2: {  	s0 =	rddreg [dreg:$0x1];
	s2 =	simm.s32 $0x0  }
0x3: {  	s4 =	srdreg.scid;
	s6 =	stileid.u32;
	s14 =	simm.s32 $0x8C80  }
0x4: {  	s15 =	simm.s32 $0x11900;
	s28 =	simm.s32 $0x2;
	s29 =	simm.s32 $0x1C980  }
0x5: {  	s30 =	simm.s32 $0x1CD80;
	s31 =	simm.s32 $0x1D180;
	[smem:$0x7FF] =	sst s2  }
0x6: {  	s3 =	sadd.s32 $0x1000, s0;
	s5 =	sshll.u32 s6, $0x1;
	s6 =	sshrl.u32 s6, $0x2  }
0x7: {  	s4 =	sand.u32 $0x1, s4;
	_ =	strace $0x80000047;
	s8 =	smul.u32 $0x1A538, s6  }
0x8: {  	s7 =	ssub.s32 $0x2, s4;
	s5 =	sand.u32 $0x6, s5;
	s6 =	smul.u32 $0xC0000, s6  }
0x9: {  	s9 =	sshrl.u32 s7, $0x1;
	s5 =	sor.u32 s4, s5;
	s4 =	sadd.s32 $0xE400, s0  }
0xa: {  	s19 =	ssub.s32 s7, s9;
	s5 =	sshll.u32 s5, $0xF;
	s20 =	sshrl.u32 s8, $0x3  }
0xb: {  	s8 =	sadd.s32 $0x8C68, s8;
	s5 =	sor.u32 s6, s5;
	s21 =	sadd.s32 s3, s20  }
0xc: {  	s22 =	sshrl.u32 s8, $0x3;
	s0 =	smax.u32 s19, $0x1;
	[dreg:$0x3] =	wrdreg s21  }
0xd: {  	s6 =	simm.s32 $0x0;
	s3 =	sadd.s32 s3, s22;
	[dreg:$0x9] =	wrdreg s0  }
0xe: {  	s23 =	sshrl.u32 s5, $0x3;
	s24 =	sadd.s32 $0x231A, s21;
	[dreg:$0x4] =	wrdreg s3  }
0xf: {  	s12 =	sor.u32 $0x800, s5;
	[dreg:$0x5] =	wrdreg s24;
	s25 =	sadd.s32 s1, s23  }
0x10: {  	s23 =	simm.s32 $0x1;
	s26 =	sadd.s32 $0x8000, s25;
	[dreg:$0x6] =	wrdreg s25  }
0x11: {  	s24 =	simm.s32 $0x1B180;
	s3 =	sadd.s32 $0x10000, s25;
	[dreg:$0x7] =	wrdreg s26  }
0x12: {  	s25 =	simm.s32 $0x1B580;
	[dreg:$0x8] =	wrdreg s3;
	s26 =	simm.s32 $0x1B980  }
.LBB2_1:
0x13: {  	[dreg:$0xa] =	wrdreg s6  }
0x14: {  	s0 =	rddreg [dreg:$0x3]  }
0x15: {  	[tilespmem:s2], [sflag:$0x5] =	stream.linear.gather [hbm4b:s0+s2], $0x8C68, $0x38;
	[tilespmem:$0x1D580] =	vst v63  }
0x16: {  	s13 =	rddreg [dreg:$0x4]  }
0x17: {  	[tilespmem:s14], [sflag:$0x5] =	stream.linear.gather [hbm4b:s13+s2], $0x8C68, $0x38;
	[tilespmem:$0x1D580] =	vst v63  }
0x18: {  	s16 =	rddreg [dreg:$0x5]  }
0x19: {  	[tilespmem:s15], [sflag:$0x5] =	stream.linear.gather [hbm4b:s16+s2], $0x8C68, $0x38;
	[tilespmem:$0x1D580] =	vst v63  }
0x1a: {  	s17 =	rddreg [dreg:$0x6];
	s3 =	simm.s32 $0x1A580  }
0x1b: {  	[tilespmem:s3], [sflag:$0x1] =	stream.linear.gather [hbm4b:s17+s2], $0x400, $0x38;
	[tilespmem:$0x1D580] =	vst v63  }
0x1c: {  	s18 =	rddreg [dreg:$0x7];
	s19 =	simm.s32 $0x1A980  }
0x1d: {  	[tilespmem:s19], [sflag:$0x1] =	stream.linear.gather [hbm4b:s18+s2], $0x400, $0x38;
	[tilespmem:$0x1D580] =	vst v63  }
0x1e: {  	s20 =	rddreg [dreg:$0x8];
	s21 =	simm.s32 $0x1AD80;
	s22 =	simm.s32 $0x5  }
0x1f: {  	[tilespmem:s21], [sflag:$0x1] =	stream.linear.gather [hbm4b:s20+s2], $0x400, $0x38;
	[tilespmem:$0x1D580] =	vst v63  }
0x20: {  	_ =	swait.ge [sflag:s22], $0x8C68  }
0x21: {  	[sflag:s22] =	ssyncset.done $0x0  }
0x22: {  	[sflag:s22] =	ssyncadd.s32 $0xFFFF7398  }
0x23: {  	_ =	swait.ge [sflag:s22], $0x8C68  }
0x24: {  	[sflag:s22] =	ssyncset.done $0x0  }
0x25: {  	[sflag:s22] =	ssyncadd.s32 $0xFFFF7398  }
0x26: {  	_ =	swait.ge [sflag:s22], $0x8C68  }
0x27: {  	[sflag:s22] =	ssyncset.done $0x0  }
0x28: {  	s17 =	simm.s32 $0x0;
	[sflag:s22] =	ssyncadd.s32 $0xFFFF7398  }
.LBB2_2:
0x29: {  	s10 =	sshll.u32 s17, $0xB  }
0x2a: {  	s0 =	sor.u32 s10, s5  }
0x2b: {  	s11 =	sshrl.u32 s0, $0x3  }
0x2c: {  	s18 =	sor.u32 $0x80, s11  }
0x2d: {  	s3 =	simm.s32 $0x1BD80;
	s7 =	sadd.s32 $0x8080, s11;
	s20 =	sadd.s32 s1, s18  }
0x2e: {  	[tilespmem:s3], [sflag:$0x2] =	stream.linear.gather [hbm4b:s20+s2], $0x400, $0x38;
	[tilespmem:$0x1D580] =	vst v63  }
0x2f: {  	s22 =	simm.s32 $0x1C180;
	s8 =	sadd.s32 $0x10080, s11;
	s21 =	sadd.s32 s1, s7  }
0x30: {  	[tilespmem:s22], [sflag:$0x2] =	stream.linear.gather [hbm4b:s21+s2], $0x400, $0x38;
	[tilespmem:$0x1D580] =	vst v63  }
0x31: {  	s9 =	simm.s32 $0x1C580;
	s6 =	sadd.s32 s1, s8  }
0x32: {  	[tilespmem:s9], [sflag:$0x2] =	stream.linear.gather [hbm4b:s6+s2], $0x400, $0x38;
	[tilespmem:$0x1D580] =	vst v63  }
0x33: {  	_ =	swait.ge [sflag:s23], $0x400  }
0x34: {  	[sflag:s23] =	ssyncset.done $0x0  }
0x35: {  	[sflag:s23] =	ssyncadd.s32 $0xFFFFFC00  }
0x36: {  	_ =	swait.ge [sflag:s23], $0x400  }
0x37: {  	[sflag:s23] =	ssyncset.done $0x0  }
0x38: {  	[sflag:s23] =	ssyncadd.s32 $0xFFFFFC00  }
0x39: {  	_ =	swait.ge [sflag:s23], $0x400  }
0x3a: {  	p0 =	seq.s32 s17, $0x0;
	[sflag:s23] =	ssyncset.done $0x0  }
0x3b: {  	s0 =	simm.s32 @!p0 $0x3;
	[sflag:s23] =	ssyncadd.s32 $0xFFFFFC00  }
0x3c: {  	_ =	swait.ge @!p0 [sflag:s0], $0x400  }
0x3d: {  	[sflag:s0] =	ssyncset.done @!p0 $0x0  }
0x3e: {  	[sflag:s0] =	ssyncadd.s32 @!p0 $0xFFFFFC00  }
0x3f: {  	_ =	swait.ge @!p0 [sflag:s0], $0x400  }
0x40: {  	[sflag:s0] =	ssyncset.done @!p0 $0x0  }
0x41: {  	[sflag:s0] =	ssyncadd.s32 @!p0 $0xFFFFFC00  }
0x42: {  	_ =	swait.ge @!p0 [sflag:s0], $0x400  }
0x43: {  	[sflag:s0] =	ssyncset.done @!p0 $0x0  }
0x44: {  	s13 =	simm.s32 $0x1AD90;
	[sflag:s0] =	ssyncadd.s32 @!p0 $0xFFFFFC00  }
0x45: {  	v0 =	vld [tilespmem:s13+$0x0]  }
0x46: {  	s16 =	simm.s32 $0x1A990  }
0x47: {  	v1 =	vld [tilespmem:s16+$0x0];
	_ =	sdelay $0x1  }
0x48: {  	s6 =	simm.s32 $0x1A590  }
0x49: {  	v2 =	vld [tilespmem:s6+$0x0];
	v0 =	vmul.f32 $3.200000000e+01, v0;
	_ =	sdelay $0x1  }
0x4a: {  	v1 =	vmul.f32 $3.200000000e+01, v1;
	v0 =	vmax.f32 v0, $0.0e+00  }
0x4b: {  	v4 =	vmin.f32 v0, $3.199999810e+01  }
0x4c: {  	v0 =	vmax.f32 v1, $0.0e+00;
	v1 =	vtrunc.f32 v4  }
0x4d: {  	v2 =	vmul.f32 $3.200000000e+01, v2;
	v0 =	vmin.f32 v0, $3.199999810e+01;
	v1 =	vcvt.f32.s32 v1  }
0x4e: {  	v3 =	vtrunc.f32 v0  }
0x4f: {  	v2 =	vmax.f32 v2, $0.0e+00;
	v3 =	vcvt.f32.s32 v3;
	v5 =	vmul.u32 $0x21, v1  }
0x50: {  	v2 =	vmin.f32 v2, $3.199999810e+01  }
0x51: {  	v6 =	vtrunc.f32 v2;
	v5 =	vadd.s32 v3, v5  }
0x52: {  	v6 =	vcvt.f32.s32 v6;
	v5 =	vmul.u32 $0x21, v5;
	_ =	sdelay $0x1  }
0x53: {  	v5 =	vadd.s32 v6, v5;
	_ =	sdelay $0x1  }
0x54: {  	v7 =	vld [tilespmem:s13+$0xFFFFFFF0]  }
0x55: {  	v8 =	vld [tilespmem:s16+$0xFFFFFFF0];
	v12 =	vadd.s32 $0x21, v5  }
0x56: {  	v9 =	vld [tilespmem:s6+$0xFFFFFFF0];
	v16 =	vadd.s32 $0x22, v5  }
0x57: {  	v21 =	vadd.s32 $0x462, v5;
	v11 =	vld.idx.msk [tilespmem:v5+s2+$0x0], $0xffff  }
0x58: {  	v22 =	vadd.s32 $0x463, v5;
	v13 =	vld.idx.msk [tilespmem:v5+s14+$0x0], $0xffff  }
0x59: {  	v7 =	vmul.f32 $3.200000000e+01, v7;
	v20 =	vld.idx.msk [tilespmem:v5+s15+$0x0], $0xffff  }
0x5a: {  	v3 =	vcvt.s32.f32 v3;
	v23 =	vld.idx.msk [tilespmem:v12+s2+$0x0], $0xffff  }
0x5b: {  	v8 =	vmul.f32 $3.200000000e+01, v8;
	v7 =	vmax.f32 v7, $0.0e+00;
	v25 =	vld.idx.msk [tilespmem:v16+s2+$0x0], $0xffff  }
0x5c: {  	v18 =	vmin.f32 v7, $3.199999810e+01;
	v7 =	vmul.f32 $3.200000000e+01, v9;
	v0 =	vsub.f32 v0, v3;
	v3 =	vld.idx.msk [tilespmem:v21+s2+$0x0], $0xffff  }
0x5d: {  	v8 =	vmax.f32 v8, $0.0e+00;
	v6 =	vcvt.s32.f32 v6;
	v28 =	vld.idx.msk [tilespmem:v22+s2+$0x0], $0xffff  }
0x5e: {  	v8 =	vmin.f32 v8, $3.199999810e+01;
	v14 =	vtrunc.f32 v18;
	v7 =	vmax.f32 v7, $0.0e+00;
	v32 =	vld.idx.msk [tilespmem:v12+s14+$0x0], $0xffff  }
0x5f: {  	v24 =	vcvt.f32.s32 v14;
	v7 =	vmin.f32 v7, $3.199999810e+01;
	v2 =	vsub.f32 v2, v6;
	v34 =	vld.idx.msk [tilespmem:v16+s14+$0x0], $0xffff  }
0x60: {  	v15 =	vtrunc.f32 v7;
	v10 =	vadd.s32 $0x1, v5;
	v17 =	vadd.s32 $0x441, v5;
	v39 =	vld.idx.msk [tilespmem:v21+s14+$0x0], $0xffff  }
0x61: {  	v19 =	vadd.s32 $0x442, v5;
	v29 =	vmul.f32 v0, v2;
	v5 =	vtrunc.f32 v8;
	v40 =	vld.idx.msk [tilespmem:v22+s14+$0x0], $0xffff  }
0x62: {  	v14 =	vmul.u32 $0x21, v24;
	v1 =	vcvt.s32.f32 v1;
	v5 =	vcvt.f32.s32 v5;
	v45 =	vld.idx.msk [tilespmem:v12+s15+$0x0], $0xffff  }
0x63: {  	v24 =	vcvt.s32.f32 v24;
	v6 =	vcvt.f32.s32 v15;
	v33 =	vsub.f32 v0, v29;
	v16 =	vld.idx.msk [tilespmem:v16+s15+$0x0], $0xffff  }
0x64: {  	v4 =	vsub.f32 v4, v1;
	v21 =	vld.idx.msk [tilespmem:v21+s15+$0x0], $0xffff;
	v15 =	vcvt.s32.f32 v5;
	v5 =	vadd.s32 v5, v14  }
0x65: {  	v22 =	vld.idx.msk [tilespmem:v22+s15+$0x0], $0xffff;
	v14 =	vcvt.s32.f32 v6;
	v5 =	vmul.u32 $0x21, v5;
	v23 =	vmul.f32 v33, v23  }
0x66: {  	v31 =	vsub.f32 v8, v15;
	v25 =	vmul.f32 v29, v25;
	v28 =	vmul.f32 v28, v29  }
0x67: {  	v9 =	vld.idx.msk [tilespmem:v10+s2+$0x0], $0xffff;
	v8 =	vsub.f32 $1.000000000e+00, v2;
	v32 =	vmul.f32 v32, v33;
	v34 =	vmul.f32 v34, v29  }
0x68: {  	v27 =	vld.idx.msk [tilespmem:v19+s2+$0x0], $0xffff;
	v35 =	vsub.f32 v7, v14;
	v48 =	vmul.f32 v39, v33;
	v1 =	vmul.f32 v40, v29  }
0x69: {  	v30 =	vld.idx.msk [tilespmem:v10+s14+$0x0], $0xffff;
	v2 =	vsub.f32 v2, v29;
	v53 =	vmul.f32 v45, v33;
	v54 =	vmul.f32 v16, v29  }
0x6a: {  	v43 =	vld.idx.msk [tilespmem:v10+s15+$0x0], $0xffff;
	v5 =	vadd.s32 v6, v5;
	v21 =	vmul.f32 v21, v33;
	v22 =	vmul.f32 v22, v29  }
0x6b: {  	v15 =	vadd.s32 $0x1, v5;
	v14 =	vadd.s32 $0x21, v5;
	v7 =	vadd.s32 $0x22, v5  }
0x6c: {  	v6 =	vadd.s32 $0x441, v5;
	v37 =	vsub.f32 v8, v33;
	v0 =	vmul.f32 v31, v35  }
0x6d: {  	v26 =	vld.idx.msk [tilespmem:v17+s2+$0x0], $0xffff;
	v8 =	vadd.s32 $0x442, v5;
	v44 =	vmul.f32 v2, v9;
	v10 =	vsub.f32 $1.000000000e+00, v35  }
0x6e: {  	v36 =	vld.idx.msk [tilespmem:v17+s14+$0x0], $0xffff;
	v27 =	vmul.f32 v2, v27;
	v30 =	vmul.f32 v30, v2;
	v23 =	vadd.f32 v23, v25  }
0x6f: {  	v38 =	vld.idx.msk [tilespmem:v19+s14+$0x0], $0xffff;
	v50 =	vmul.f32 v43, v2;
	v1 =	vadd.f32 v1, v48;
	v21 =	vadd.f32 v22, v21  }
0x70: {  	v17 =	vld.idx.msk [tilespmem:v17+s15+$0x0], $0xffff;
	v41 =	vmul.f32 v37, v11;
	v11 =	vadd.s32 $0x462, v5;
	v42 =	vmul.f32 v13, v37  }
0x71: {  	v19 =	vld.idx.msk [tilespmem:v19+s15+$0x0], $0xffff;
	v13 =	vadd.s32 $0x463, v5;
	v20 =	vmul.f32 v20, v37;
	v9 =	vsub.f32 v31, v0  }
0x72: {  	v26 =	vmul.f32 v37, v26;
	v31 =	vmul.f32 v3, v33;
	v12 =	vsub.f32 v35, v0  }
0x73: {  	v3 =	vsub.f32 v18, v24;
	v18 =	vmul.f32 v36, v37;
	v10 =	vsub.f32 v10, v9;
	v63 =	vld.idx.msk [tilespmem:v5+s14+$0x0], $0xffff  }
0x74: {  	v24 =	vmul.f32 v38, v2;
	v52 =	vadd.f32 v41, v44;
	v25 =	vadd.f32 v26, v27;
	v49 =	vld.idx.msk [tilespmem:v15+s2+$0x0], $0xffff  }
0x75: {  	v17 =	vmul.f32 v17, v37;
	v27 =	vadd.f32 v28, v31;
	v28 =	vadd.f32 v30, v42;
	v26 =	vld.idx.msk [tilespmem:v6+s2+$0x0], $0xffff  }
0x76: {  	v2 =	vmul.f32 v19, v2;
	v30 =	vadd.f32 v34, v32;
	v18 =	vadd.f32 v24, v18;
	v19 =	vld.idx.msk [tilespmem:v8+s2+$0x0], $0xffff  }
0x77: {  	v20 =	vadd.f32 v50, v20;
	v31 =	vadd.f32 v54, v53;
	v24 =	vld.idx.msk [tilespmem:v11+s2+$0x0], $0xffff  }
0x78: {  	v2 =	vadd.f32 v2, v17;
	v23 =	vadd.f32 v52, v23;
	v29 =	vld.idx.msk [tilespmem:v13+s2+$0x0], $0xffff  }
0x79: {  	v51 =	vld.idx.msk [tilespmem:v14+s2+$0x0], $0xffff;
	v25 =	vadd.f32 v27, v25;
	v27 =	vadd.f32 v30, v28  }
0x7a: {  	s19 =	simm.s32 $0x1ADB0;
	v55 =	vld.idx.msk [tilespmem:v7+s2+$0x0], $0xffff;
	v1 =	vadd.f32 v1, v18;
	v20 =	vadd.f32 v31, v20  }
0x7b: {  	v30 =	vld [tilespmem:s19+$0x0];
	v2 =	vadd.f32 v21, v2;
	v25 =	vsub.f32 v25, v23  }
0x7c: {  	s20 =	simm.s32 $0x1A9B0;
	v57 =	vld.idx.msk [tilespmem:v14+s14+$0x0], $0xffff;
	v1 =	vsub.f32 v1, v27;
	v26 =	vmul.f32 v10, v26;
	v19 =	vmul.f32 v12, v19  }
0x7d: {  	v2 =	vsub.f32 v2, v20;
	v21 =	vmul.f32 v24, v9;
	v24 =	vmul.f32 v29, v0;
	v29 =	vld [tilespmem:s20+$0x0]  }
0x7e: {  	v28 =	vld.idx.msk [tilespmem:v7+s14+$0x0], $0xffff;
	v25 =	vmul.f32 v25, v4  }
0x7f: {  	s21 =	simm.s32 $0x1A5B0;
	v17 =	vld.idx.msk [tilespmem:v15+s14+$0x0], $0xffff;
	v2 =	vmul.f32 v2, v4;
	v19 =	vadd.f32 v26, v19;
	v26 =	vmul.f32 v1, v4  }
0x80: {  	v1 =	vadd.f32 v25, v23;
	v23 =	vld [tilespmem:s21+$0x0];
	v21 =	vadd.f32 v24, v21;
	v24 =	vmul.f32 $3.200000000e+01, v30  }
0x81: {  	v58 =	vld.idx.msk [tilespmem:v8+s14+$0x0], $0xffff;
	v56 =	vmul.f32 v9, v51;
	v22 =	vmul.f32 v0, v55  }
0x82: {  	v15 =	vld.idx.msk [tilespmem:v15+s15+$0x0], $0xffff;
	v2 =	vadd.f32 v2, v20;
	v20 =	vmax.f32 v24, $0.0e+00;
	v29 =	vmul.f32 $3.200000000e+01, v29  }
0x83: {  	v14 =	vld.idx.msk [tilespmem:v14+s15+$0x0], $0xffff;
	v33 =	vmul.f32 v57, v9;
	v28 =	vmul.f32 v28, v0;
	v20 =	vmin.f32 v20, $3.199999810e+01  }
0x84: {  	v35 =	vld.idx.msk [tilespmem:v6+s15+$0x0], $0xffff;
	v18 =	vadd.f32 v56, v22;
	v30 =	vtrunc.f32 v20;
	v29 =	vmax.f32 v29, $0.0e+00  }
0x85: {  	v31 =	vld.idx.msk [tilespmem:v6+s14+$0x0], $0xffff;
	v23 =	vmul.f32 $3.200000000e+01, v23;
	v30 =	vcvt.f32.s32 v30;
	v29 =	vmin.f32 v29, $3.199999810e+01  }
0x86: {  	v22 =	vmul.f32 v17, v12;
	v17 =	vld.idx.msk [tilespmem:v11+s14+$0x0], $0xffff;
	v4 =	vadd.f32 v26, v27;
	v59 =	vtrunc.f32 v29  }
0x87: {  	v27 =	vld.idx.msk [tilespmem:v13+s14+$0x0], $0xffff;
	v23 =	vmax.f32 v23, $0.0e+00;
	v60 =	vmul.u32 $0x21, v30;
	v32 =	vcvt.f32.s32 v59  }
0x88: {  	v24 =	vld [tilespmem:s20+$0xFFFFFFF0];
	v23 =	vmin.f32 v23, $3.199999810e+01  }
0x89: {  	v25 =	vld [tilespmem:s19+$0xFFFFFFF0];
	v28 =	vadd.f32 v28, v33;
	v61 =	vtrunc.f32 v23;
	v33 =	vadd.s32 v32, v60  }
0x8a: {  	v7 =	vld.idx.msk [tilespmem:v7+s15+$0x0], $0xffff;
	v34 =	vcvt.f32.s32 v61;
	v6 =	vmul.u32 $0x21, v33  }
0x8b: {  	v26 =	vmul.f32 v31, v10;
	v31 =	vld [tilespmem:s21+$0xFFFFFFF0];
	v21 =	vadd.f32 v21, v19;
	v19 =	vmul.f32 v58, v12  }
0x8c: {  	v17 =	vmul.f32 v17, v9;
	v33 =	vld.idx.msk [tilespmem:v11+s15+$0x0], $0xffff;
	v11 =	vadd.s32 v34, v6  }
0x8d: {  	v19 =	vadd.f32 v19, v26;
	v26 =	vld.idx.msk [tilespmem:v8+s15+$0x0], $0xffff;
	v27 =	vmul.f32 v27, v0;
	v24 =	vmul.f32 $3.200000000e+01, v24  }
0x8e: {  	v63 =	vmul.f32 v63, v10;
	v25 =	vmul.f32 $3.200000000e+01, v25;
	v60 =	vld.idx.msk [tilespmem:v5+s15+$0x0], $0xffff  }
0x8f: {  	v24 =	vmax.f32 v24, $0.0e+00;
	v6 =	vadd.f32 v27, v17;
	v27 =	vld.idx.msk [tilespmem:v13+s15+$0x0], $0xffff;
	v39 =	vadd.s32 $0x1, v11  }
0x90: {  	v16 =	vmul.f32 v12, v49;
	v13 =	vmin.f32 v24, $3.199999810e+01;
	v24 =	vld.idx.msk [tilespmem:v5+s2+$0x0], $0xffff;
	v41 =	vadd.s32 $0x21, v11  }
0x91: {  	v35 =	vmul.f32 v35, v10;
	v25 =	vmax.f32 v25, $0.0e+00;
	v43 =	vadd.s32 $0x22, v11;
	v44 =	vld.idx.msk [tilespmem:v11+s2+$0x0], $0xffff  }
0x92: {  	v8 =	vmul.f32 $3.200000000e+01, v31;
	v25 =	vmin.f32 v25, $3.199999810e+01;
	v45 =	vadd.s32 $0x441, v11;
	v46 =	vld.idx.msk [tilespmem:v11+s14+$0x0], $0xffff  }
0x93: {  	v49 =	vmul.f32 v7, v0;
	v31 =	vtrunc.f32 v25;
	v47 =	vadd.s32 $0x442, v11;
	v48 =	vld.idx.msk [tilespmem:v11+s15+$0x0], $0xffff  }
0x94: {  	v8 =	vmax.f32 v8, $0.0e+00;
	v30 =	vcvt.s32.f32 v30;
	v50 =	vadd.s32 $0x462, v11;
	v51 =	vld.idx.msk [tilespmem:v39+s2+$0x0], $0xffff  }
0x95: {  	v31 =	vcvt.f32.s32 v31;
	v8 =	vmin.f32 v8, $3.199999810e+01;
	v53 =	vadd.s32 $0x463, v11;
	v54 =	vld.idx.msk [tilespmem:v41+s2+$0x0], $0xffff  }
0x96: {  	v61 =	vmul.f32 v15, v12;
	v59 =	vtrunc.f32 v8;
	v55 =	vld.idx.msk [tilespmem:v43+s2+$0x0], $0xffff  }
0x97: {  	v22 =	vadd.f32 v22, v63;
	v26 =	vmul.f32 v26, v12;
	v32 =	vcvt.s32.f32 v32;
	v56 =	vld.idx.msk [tilespmem:v45+s2+$0x0], $0xffff  }
0x98: {  	v30 =	vsub.f32 v20, v30;
	v34 =	vcvt.s32.f32 v34;
	v17 =	vtrunc.f32 v13;
	v57 =	vld.idx.msk [tilespmem:v47+s2+$0x0], $0xffff  }
0x99: {  	v62 =	vmul.u32 $0x21, v31;
	v5 =	vcvt.f32.s32 v59;
	v17 =	vcvt.f32.s32 v17;
	v59 =	vld.idx.msk [tilespmem:v50+s2+$0x0], $0xffff  }
0x9a: {  	v29 =	vsub.f32 v29, v32;
	v23 =	vsub.f32 v23, v34;
	v33 =	vmul.f32 v33, v9;
	v32 =	vld.idx.msk [tilespmem:v53+s2+$0x0], $0xffff  }
0x9b: {  	v15 =	vadd.s32 v17, v62;
	v62 =	vmul.f32 v14, v9;
	v9 =	vmul.f32 v10, v24;
	v24 =	vld.idx.msk [tilespmem:v39+s14+$0x0], $0xffff  }
0x9c: {  	v38 =	vadd.f32 v6, v19;
	v6 =	vcvt.s32.f32 v17;
	v14 =	vcvt.s32.f32 v5;
	v40 =	vld.idx.msk [tilespmem:v43+s14+$0x0], $0xffff  }
0x9d: {  	v26 =	vadd.f32 v26, v35;
	v37 =	vmul.f32 v29, v23;
	v10 =	vmul.f32 v60, v10;
	v60 =	vld.idx.msk [tilespmem:v47+s14+$0x0], $0xffff  }
0x9e: {  	v0 =	vmul.f32 v27, v0;
	v27 =	vsub.f32 $1.000000000e+00, v23;
	v36 =	vadd.f32 v49, v62;
	v62 =	vld.idx.msk [tilespmem:v53+s14+$0x0], $0xffff  }
0x9f: {  	v15 =	vmul.u32 $0x21, v15;
	v13 =	vsub.f32 v13, v6;
	v52 =	vsub.f32 v8, v14;
	v39 =	vld.idx.msk [tilespmem:v39+s15+$0x0], $0xffff  }
0xa0: {  	v31 =	vcvt.s32.f32 v31;
	v29 =	vsub.f32 v29, v37;
	v23 =	vsub.f32 v23, v37;
	v43 =	vld.idx.msk [tilespmem:v43+s15+$0x0], $0xffff  }
0xa1: {  	v47 =	vld.idx.msk [tilespmem:v47+s15+$0x0], $0xffff;
	v6 =	vadd.s32 v5, v15;
	v16 =	vadd.f32 v9, v16;
	v10 =	vadd.f32 v61, v10  }
0xa2: {  	v53 =	vld.idx.msk [tilespmem:v53+s15+$0x0], $0xffff;
	v0 =	vadd.f32 v0, v33;
	v19 =	vadd.s32 $0x1, v6;
	v17 =	vadd.s32 $0x21, v6  }
0xa3: {  	v61 =	vld.idx.msk [tilespmem:v50+s14+$0x0], $0xffff;
	v11 =	vmul.f32 v13, v52;
	v58 =	vsub.f32 $1.000000000e+00, v52;
	v27 =	vsub.f32 v27, v29  }
0xa4: {  	v50 =	vld.idx.msk [tilespmem:v50+s15+$0x0], $0xffff;
	v15 =	vadd.s32 $0x22, v6;
	v42 =	vadd.f32 v16, v18;
	v16 =	vadd.f32 v28, v22  }
0xa5: {  	v14 =	vadd.s32 $0x441, v6;
	v5 =	vsub.f32 v13, v11;
	v13 =	vsub.f32 v52, v11;
	v52 =	vld.idx.msk [tilespmem:v41+s14+$0x0], $0xffff  }
0xa6: {  	v8 =	vadd.s32 $0x442, v6;
	v18 =	vadd.f32 v36, v10;
	v0 =	vadd.f32 v0, v26;
	v41 =	vld.idx.msk [tilespmem:v41+s15+$0x0], $0xffff  }
0xa7: {  	v44 =	vmul.f32 v27, v44;
	v46 =	vmul.f32 v46, v27;
	v12 =	vsub.f32 v58, v5;
	v58 =	vld.idx.msk [tilespmem:v45+s14+$0x0], $0xffff  }
0xa8: {  	s22 =	simm.s32 $0x1ADD0;
	v28 =	vmul.f32 v48, v27;
	v10 =	vmul.f32 v29, v54;
	v54 =	vsub.f32 v0, v18;
	v45 =	vld.idx.msk [tilespmem:v45+s15+$0x0], $0xffff  }
0xa9: {  	v0 =	vsub.f32 v25, v31;
	v31 =	vmul.f32 v61, v29;
	v61 =	vmul.f32 v43, v37;
	v43 =	vld [tilespmem:s22+$0x0]  }
0xaa: {  	v9 =	vadd.s32 $0x463, v6;
	v22 =	vmul.f32 v23, v51;
	v63 =	vmul.f32 v23, v57;
	v57 =	vld.idx.msk [tilespmem:v19+s2+$0x0], $0xffff  }
0xab: {  	v26 =	vmul.f32 v27, v56;
	v51 =	vsub.f32 v21, v42;
	v21 =	vmul.f32 v59, v29;
	v59 =	vld.idx.msk [tilespmem:v17+s2+$0x0], $0xffff  }
0xac: {  	v7 =	vadd.s32 $0x462, v6;
	v36 =	vmul.f32 v37, v55;
	v20 =	vmul.f32 v62, v37;
	v62 =	vld.idx.msk [tilespmem:v15+s2+$0x0], $0xffff  }
0xad: {  	v32 =	vmul.f32 v32, v37;
	v38 =	vsub.f32 v38, v16;
	v26 =	vadd.f32 v26, v63;
	v63 =	vld.idx.msk [tilespmem:v14+s2+$0x0], $0xffff  }
0xae: {  	v24 =	vmul.f32 v24, v23;
	v40 =	vmul.f32 v40, v37;
	v22 =	vadd.f32 v44, v22;
	v48 =	vld.idx.msk [tilespmem:v8+s2+$0x0], $0xffff  }
0xaf: {  	s13 =	simm.s32 $0x1A9D0;
	v25 =	vmul.f32 v60, v23;
	v10 =	vadd.f32 v10, v36;
	v21 =	vadd.f32 v32, v21;
	v56 =	vld.idx.msk [tilespmem:v9+s2+$0x0], $0xffff  }
0xb0: {  	v55 =	vmul.f32 v53, v37;
	v24 =	vadd.f32 v24, v46;
	v46 =	vld [tilespmem:s13+$0x0];
	v31 =	vadd.f32 v20, v31  }
0xb1: {  	v52 =	vmul.f32 v52, v29;
	v60 =	vmul.f32 v41, v29;
	v21 =	vadd.f32 v21, v26;
	v26 =	vld.idx.msk [tilespmem:v15+s14+$0x0], $0xffff  }
0xb2: {  	v29 =	vmul.f32 v50, v29;
	v10 =	vadd.f32 v22, v10;
	v15 =	vld.idx.msk [tilespmem:v15+s15+$0x0], $0xffff;
	v49 =	vmul.f32 v58, v27  }
0xb3: {  	v58 =	vmul.f32 v39, v23;
	v27 =	vmul.f32 v45, v27;
	v40 =	vadd.f32 v40, v52;
	v52 =	vld.idx.msk [tilespmem:v7+s2+$0x0], $0xffff  }
0xb4: {  	v23 =	vmul.f32 v47, v23;
	v22 =	vadd.f32 v55, v29;
	v29 =	vld.idx.msk [tilespmem:v17+s14+$0x0], $0xffff;
	v20 =	vmul.f32 v13, v57  }
0xb5: {  	v39 =	vadd.f32 v61, v60;
	v61 =	vld.idx.msk [tilespmem:v7+s14+$0x0], $0xffff;
	v57 =	vmul.f32 v5, v59;
	v59 =	vmul.f32 v12, v63  }
0xb6: {  	v21 =	vsub.f32 v21, v10;
	v45 =	vld [tilespmem:s22+$0xFFFFFFF0];
	v32 =	vmul.f32 v13, v48;
	v37 =	vmul.f32 v56, v11  }
0xb7: {  	s6 =	simm.s32 $0x1A5D0;
	v63 =	vld.idx.msk [tilespmem:v9+s14+$0x0], $0xffff;
	v36 =	vmul.f32 $3.200000000e+01, v46;
	v25 =	vadd.f32 v25, v49;
	v28 =	vadd.f32 v58, v28  }
0xb8: {  	v48 =	vld [tilespmem:s6+$0x0];
	v23 =	vadd.f32 v23, v27;
	v24 =	vadd.f32 v40, v24;
	v58 =	vmul.f32 v11, v62  }
0xb9: {  	v56 =	vld.idx.msk [tilespmem:v17+s15+$0x0], $0xffff;
	v62 =	vmul.f32 v21, v30;
	v32 =	vadd.f32 v59, v32;
	v26 =	vmul.f32 v26, v11  }
0xba: {  	v27 =	vld.idx.msk [tilespmem:v19+s14+$0x0], $0xffff;
	v15 =	vmul.f32 v15, v11;
	v25 =	vadd.f32 v31, v25;
	v28 =	vadd.f32 v39, v28  }
0xbb: {  	v31 =	vld.idx.msk [tilespmem:v14+s14+$0x0], $0xffff;
	v22 =	vadd.f32 v22, v23;
	v21 =	vadd.f32 v57, v58;
	v60 =	vmul.f32 v52, v5  }
0xbc: {  	v23 =	vld.idx.msk [tilespmem:v8+s14+$0x0], $0xffff;
	v44 =	vmul.f32 v29, v5;
	v47 =	vmul.f32 v61, v5;
	v25 =	vsub.f32 v25, v24  }
0xbd: {  	v49 =	vld [tilespmem:s13+$0xFFFFFFF0];
	v35 =	vmul.f32 $3.200000000e+01, v45;
	v22 =	vsub.f32 v22, v28;
	v50 =	vmul.f32 v63, v11  }
0xbe: {  	v52 =	vmax.f32 v36, $0.0e+00;
	v34 =	vmul.f32 $3.200000000e+01, v48;
	v25 =	vmul.f32 v25, v30  }
0xbf: {  	v19 =	vld.idx.msk [tilespmem:v19+s15+$0x0], $0xffff;
	v22 =	vmul.f32 v22, v30;
	v30 =	vadd.f32 v62, v10;
	v10 =	vadd.f32 v37, v60  }
0xc0: {  	v40 =	vmul.f32 v56, v5;
	v29 =	vadd.f32 v25, v24;
	v25 =	vmul.f32 v31, v12  }
0xc1: {  	v24 =	vadd.f32 v10, v32;
	v10 =	vmul.f32 v23, v13;
	v23 =	vmul.f32 $3.200000000e+01, v43  }
0xc2: {  	v27 =	vmul.f32 v27, v13;
	v26 =	vadd.f32 v26, v44;
	v33 =	vmul.f32 $3.200000000e+01, v49  }
0xc3: {  	v35 =	vmax.f32 v35, $0.0e+00;
	v10 =	vadd.f32 v10, v25;
	v25 =	vmax.f32 v23, $0.0e+00  }
0xc4: {  	v14 =	vld.idx.msk [tilespmem:v14+s15+$0x0], $0xffff;
	v19 =	vmul.f32 v19, v13;
	v34 =	vmax.f32 v34, $0.0e+00;
	v25 =	vmin.f32 v25, $3.199999810e+01  }
0xc5: {  	v17 =	vmin.f32 v35, $3.199999810e+01;
	v15 =	vadd.f32 v15, v40;
	v53 =	vtrunc.f32 v25  }
0xc6: {  	v31 =	vmul.f32 v51, v3;
	v51 =	vld [tilespmem:s6+$0xFFFFFFF0];
	v32 =	vmin.f32 v52, $3.199999810e+01;
	v36 =	vcvt.f32.s32 v53  }
0xc7: {  	v61 =	vld.idx.msk [tilespmem:v6+s2+$0x0], $0xffff;
	v34 =	vmin.f32 v34, $3.199999810e+01;
	v23 =	vmul.f32 v54, v3;
	v54 =	vtrunc.f32 v32  }
0xc8: {  	v33 =	vmax.f32 v33, $0.0e+00;
	v37 =	vcvt.f32.s32 v54;
	v55 =	vmul.u32 $0x21, v36  }
0xc9: {  	v59 =	vtrunc.f32 v17;
	v14 =	vmul.f32 v14, v12;
	v28 =	vadd.f32 v22, v28  }
0xca: {  	v22 =	vmul.f32 v38, v3;
	v58 =	vtrunc.f32 v34;
	v39 =	vadd.s32 v37, v55  }
0xcb: {  	v38 =	vcvt.f32.s32 v58;
	v57 =	vmul.f32 $3.200000000e+01, v51;
	v39 =	vmul.u32 $0x21, v39  }
0xcc: {  	v41 =	vld.idx.msk [tilespmem:v7+s15+$0x0], $0xffff;
	v35 =	vcvt.f32.s32 v59;
	v33 =	vmin.f32 v33, $3.199999810e+01;
	v45 =	vmul.f32 v12, v61  }
0xcd: {  	v31 =	vadd.f32 v31, v42;
	v42 =	vld.idx.msk [tilespmem:v8+s15+$0x0], $0xffff;
	v8 =	vmax.f32 v57, $0.0e+00;
	v39 =	vadd.s32 v38, v39  }
0xce: {  	v62 =	vld.idx.msk [tilespmem:v6+s14+$0x0], $0xffff;
	v3 =	vadd.f32 v50, v47;
	v7 =	vmin.f32 v8, $3.199999810e+01;
	v8 =	vtrunc.f32 v33  }
0xcf: {  	v43 =	vld.idx.msk [tilespmem:v9+s15+$0x0], $0xffff;
	v9 =	vmul.u32 $0x21, v35;
	v60 =	vtrunc.f32 v7;
	v8 =	vcvt.f32.s32 v8  }
0xd0: {  	s20 =	simm.s32 $0x1B190;
	v63 =	vld.idx.msk [tilespmem:v6+s15+$0x0], $0xffff;
	v46 =	vadd.f32 v3, v10;
	v44 =	vcvt.f32.s32 v60;
	v48 =	vadd.s32 $0x1, v39  }
0xd1: {  	s9 =	simm.s32 $0x1B590;
	[tilespmem:s20+$0x0] =	vst v1;
	v3 =	vcvt.s32.f32 v8;
	v8 =	vadd.s32 v8, v9;
	v50 =	vadd.s32 $0x21, v39  }
0xd2: {  	s16 =	simm.s32 $0x1B1B0;
	[tilespmem:s9+$0x0] =	vst v4;
	v6 =	vmul.u32 $0x21, v8;
	v8 =	vcvt.s32.f32 v44;
	v51 =	vadd.s32 $0x22, v39;
	v52 =	vld.idx.msk [tilespmem:v39+s2+$0x0], $0xffff  }
0xd3: {  	s0 =	simm.s32 $0x1B5B0;
	[tilespmem:s16+$0x0] =	vst v30;
	v4 =	vcvt.s32.f32 v38;
	v47 =	vmul.f32 v62, v12;
	v55 =	vadd.s32 $0x442, v39;
	v53 =	vld.idx.msk [tilespmem:v39+s14+$0x0], $0xffff  }
0xd4: {  	s3 =	simm.s32 $0x1B9B0;
	[tilespmem:s0+$0x0] =	vst v29;
	v33 =	vsub.f32 v33, v3;
	v57 =	vadd.s32 $0x462, v39;
	v60 =	vsub.f32 v7, v8;
	v56 =	vld.idx.msk [tilespmem:v39+s15+$0x0], $0xffff  }
0xd5: {  	v20 =	vadd.f32 v45, v20;
	v12 =	vmul.f32 v63, v12;
	[tilespmem:s3+$0x0] =	vst v28;
	v28 =	vcvt.s32.f32 v35;
	v58 =	vld.idx.msk [tilespmem:v48+s2+$0x0], $0xffff  }
0xd6: {  	v23 =	vadd.f32 v23, v18;
	v27 =	vadd.f32 v27, v47;
	v1 =	vmul.f32 v33, v60;
	v59 =	vld.idx.msk [tilespmem:v50+s2+$0x0], $0xffff  }
0xd7: {  	v19 =	vadd.f32 v19, v12;
	v13 =	vmul.f32 v42, v13;
	v37 =	vcvt.s32.f32 v37;
	v42 =	vld.idx.msk [tilespmem:v51+s2+$0x0], $0xffff  }
0xd8: {  	v38 =	vmul.f32 v41, v5;
	v5 =	vsub.f32 v33, v1;
	v33 =	vsub.f32 v34, v4;
	v34 =	vld.idx.msk [tilespmem:v55+s2+$0x0], $0xffff  }
0xd9: {  	v17 =	vsub.f32 v17, v28;
	v32 =	vsub.f32 v32, v37;
	v37 =	vld.idx.msk [tilespmem:v57+s2+$0x0], $0xffff  }
0xda: {  	[tilespmem:s20+$0xFFFFFFF0] =	vst v31;
	v31 =	vcvt.s32.f32 v36;
	v29 =	vadd.f32 v13, v14;
	v13 =	vadd.f32 v20, v21;
	v40 =	vld.idx.msk [tilespmem:v48+s14+$0x0], $0xffff  }
0xdb: {  	v43 =	vmul.f32 v43, v11;
	v15 =	vadd.f32 v15, v19;
	v14 =	vadd.f32 v26, v27;
	v47 =	vld.idx.msk [tilespmem:v51+s14+$0x0], $0xffff  }
0xdc: {  	v25 =	vsub.f32 v25, v31;
	v21 =	vsub.f32 v24, v13;
	v35 =	vld.idx.msk [tilespmem:v55+s14+$0x0], $0xffff  }
0xdd: {  	v3 =	vadd.s32 v44, v6;
	v44 =	vadd.s32 $0x441, v39;
	v38 =	vadd.f32 v43, v38;
	v61 =	vld.idx.msk [tilespmem:v57+s14+$0x0], $0xffff  }
0xde: {  	v20 =	vsub.f32 v46, v14;
	v24 =	vadd.f32 v22, v16;
	v48 =	vld.idx.msk [tilespmem:v48+s15+$0x0], $0xffff  }
0xdf: {  	v10 =	vadd.s32 $0x1, v3;
	v19 =	vadd.f32 v38, v29;
	v29 =	vld.idx.msk [tilespmem:v50+s15+$0x0], $0xffff;
	v45 =	vmul.f32 v32, v33  }
0xe0: {  	v8 =	vadd.s32 $0x21, v3;
	v7 =	vadd.s32 $0x22, v3;
	v63 =	vld.idx.msk [tilespmem:v51+s15+$0x0], $0xffff;
	v30 =	vsub.f32 $1.000000000e+00, v33  }
0xe1: {  	s19 =	simm.s32 $0x1B990;
	v39 =	vadd.s32 $0x463, v39;
	v28 =	vld.idx.msk [tilespmem:v55+s15+$0x0], $0xffff;
	v32 =	vsub.f32 v32, v45;
	v33 =	vsub.f32 v33, v45  }
0xe2: {  	[tilespmem:s19+$0x0] =	vst v2;
	v2 =	vsub.f32 $1.000000000e+00, v60;
	v41 =	vld.idx.msk [tilespmem:v44+s2+$0x0], $0xffff;
	v42 =	vmul.f32 v45, v42;
	v47 =	vmul.f32 v47, v45  }
0xe3: {  	v4 =	vsub.f32 v60, v1;
	v60 =	vld.idx.msk [tilespmem:v44+s14+$0x0], $0xffff;
	v62 =	vmul.f32 v33, v58;
	v38 =	vmul.f32 v32, v59  }
0xe4: {  	v6 =	vadd.s32 $0x441, v3;
	v44 =	vld.idx.msk [tilespmem:v44+s15+$0x0], $0xffff;
	v34 =	vmul.f32 v33, v34;
	v37 =	vmul.f32 v37, v32  }
0xe5: {  	v9 =	vadd.s32 $0x442, v3;
	v18 =	vld.idx.msk [tilespmem:v10+s2+$0x0], $0xffff;
	v40 =	vmul.f32 v40, v33;
	v22 =	vmul.f32 v35, v33  }
0xe6: {  	v49 =	vld.idx.msk [tilespmem:v39+s2+$0x0], $0xffff;
	v30 =	vsub.f32 v30, v32;
	v59 =	vmul.f32 v61, v32;
	v31 =	vmul.f32 v48, v33  }
0xe7: {  	v12 =	vadd.s32 $0x462, v3;
	v16 =	vld.idx.msk [tilespmem:v39+s15+$0x0], $0xffff;
	v29 =	vmul.f32 v29, v32;
	v61 =	vmul.f32 v63, v45  }
0xe8: {  	v11 =	vadd.s32 $0x463, v3;
	v54 =	vld.idx.msk [tilespmem:v50+s14+$0x0], $0xffff;
	v28 =	vmul.f32 v28, v33;
	v27 =	vmul.f32 v30, v52  }
0xe9: {  	v19 =	vsub.f32 v19, v15;
	v26 =	vld.idx.msk [tilespmem:v39+s14+$0x0], $0xffff;
	v43 =	vmul.f32 v53, v30;
	v53 =	vmul.f32 v56, v30  }
0xea: {  	v57 =	vld.idx.msk [tilespmem:v57+s15+$0x0], $0xffff;
	v2 =	vsub.f32 v2, v5;
	v41 =	vmul.f32 v30, v41;
	v58 =	vmul.f32 v60, v30  }
0xeb: {  	v38 =	vadd.f32 v38, v42;
	v30 =	vmul.f32 v44, v30;
	v46 =	vmul.f32 v49, v45  }
0xec: {  	v50 =	vld.idx.msk [tilespmem:v9+s2+$0x0], $0xffff;
	v56 =	vmul.f32 v16, v45;
	v16 =	vmul.f32 v4, v18;
	v18 =	vadd.f32 v61, v29  }
0xed: {  	v55 =	vld.idx.msk [tilespmem:v12+s2+$0x0], $0xffff;
	v49 =	vmul.f32 v54, v32;
	v27 =	vadd.f32 v27, v62;
	v41 =	vadd.f32 v41, v34  }
0xee: {  	v63 =	vld.idx.msk [tilespmem:v6+s2+$0x0], $0xffff;
	v26 =	vmul.f32 v26, v45;
	v40 =	vadd.f32 v40, v43;
	v22 =	vadd.f32 v22, v58  }
0xef: {  	v60 =	vld.idx.msk [tilespmem:v8+s2+$0x0], $0xffff;
	v32 =	vmul.f32 v57, v32;
	v31 =	vadd.f32 v31, v53;
	v29 =	vadd.f32 v28, v30  }
0xf0: {  	v62 =	vld.idx.msk [tilespmem:v7+s2+$0x0], $0xffff;
	v37 =	vadd.f32 v46, v37;
	v52 =	vadd.f32 v47, v49  }
0xf1: {  	v57 =	vld.idx.msk [tilespmem:v11+s2+$0x0], $0xffff;
	v26 =	vadd.f32 v26, v59;
	v32 =	vadd.f32 v56, v32  }
0xf2: {  	v58 =	vld.idx.msk [tilespmem:v10+s14+$0x0], $0xffff;
	v28 =	vadd.f32 v27, v38;
	v37 =	vadd.f32 v37, v41  }
0xf3: {  	v33 =	vld.idx.msk [tilespmem:v7+s14+$0x0], $0xffff;
	v61 =	vmul.f32 v4, v50;
	v27 =	vadd.f32 v52, v40;
	v22 =	vadd.f32 v26, v22  }
0xf4: {  	v34 =	vld.idx.msk [tilespmem:v8+s14+$0x0], $0xffff;
	v36 =	vmul.f32 v5, v60;
	v26 =	vadd.f32 v18, v31;
	v32 =	vadd.f32 v32, v29  }
0xf5: {  	v30 =	vld.idx.msk [tilespmem:v6+s14+$0x0], $0xffff;
	v60 =	vmul.f32 v2, v63;
	v59 =	vmul.f32 v1, v62;
	v62 =	vsub.f32 v37, v28  }
0xf6: {  	v29 =	vld.idx.msk [tilespmem:v9+s14+$0x0], $0xffff;
	v63 =	vsub.f32 v22, v27;
	v37 =	vmul.f32 v57, v1;
	v39 =	vsub.f32 v32, v26  }
0xf7: {  	v31 =	vld.idx.msk [tilespmem:v12+s14+$0x0], $0xffff;
	v35 =	vadd.f32 v60, v61;
	v22 =	vmul.f32 v58, v4;
	v40 =	vmul.f32 v62, v25  }
0xf8: {  	s21 =	simm.s32 $0x40;
	s22 =	simm.s32 $0x1ADF0;
	s20 =	simm.s32 $0x1B1B0;
	v32 =	vld.idx.msk [tilespmem:v11+s14+$0x0], $0xffff;
	v18 =	vadd.f32 v36, v59;
	v36 =	vmul.f32 v55, v5;
	v38 =	vmul.f32 v63, v25  }
.LBB2_3:
0xf9: {  	v41 =	vld [tilespmem:s22+$0x0];
	v34 =	vmul.f32 v34, v5;
	v28 =	vadd.f32 v40, v28;
	v25 =	vmul.f32 v39, v25;
	[tilespmem:s9+$0xFFFFFFF0] =	vst v24;
	s9 =	smov.u32 s0  }
0xfa: {  	v40 =	vadd.f32 v37, v36;
	v33 =	vmul.f32 v33, v1;
	s13 =	sadd.s32 $0x20, s13;
	s16 =	sadd.s32 $0x20, s16;
	v39 =	vld [tilespmem:s22+$0xFFFFFFF0];
	v27 =	vadd.f32 v38, v27;
	[tilespmem:s19+$0xFFFFFFF0] =	vst v23;
	s19 =	smov.u32 s3  }
0xfb: {  	s0 =	sadd.s32 $0x20, s0;
	v30 =	vmul.f32 v30, v2;
	v36 =	vld [tilespmem:s13+$0x0];
	[tilespmem:s16+$0x0] =	vst v28;
	v23 =	vadd.f32 v25, v26;
	v26 =	vmul.f32 v21, v0  }
0xfc: {  	s3 =	sadd.s32 $0x20, s3;
	v21 =	vadd.f32 v40, v35;
	v28 =	vadd.f32 v33, v34;
	v33 =	vmul.f32 v29, v4;
	v37 =	vld [tilespmem:s13+$0xFFFFFFF0];
	[tilespmem:s0+$0x0] =	vst v27  }
0xfd: {  	s6 =	sadd.s32 $0x20, s6;
	v24 =	vmov v14;
	v27 =	vmul.f32 v31, v5;
	v10 =	vld.idx.msk [tilespmem:v10+s15+$0x0], $0xffff;
	[tilespmem:s3+$0x0] =	vst v23;
	v23 =	vmul.f32 v20, v0  }
0xfe: {  	v29 =	vadd.f32 v33, v30;
	v30 =	vmul.f32 v32, v1;
	v25 =	vmovc v15;
	v14 =	vld [tilespmem:s6+$0x0];
	v20 =	vmul.f32 $3.200000000e+01, v41  }
0xff: {  	v13 =	vadd.f32 v26, v13;
	v26 =	vmul.f32 v19, v0;
	v0 =	vmovc v17;
	v15 =	vld [tilespmem:s6+$0xFFFFFFF0];
	v31 =	vmul.f32 $3.200000000e+01, v39  }
0x100: {  	v19 =	vmul.f32 $3.200000000e+01, v36;
	v17 =	vmax.f32 v20, $0.0e+00;
	v8 =	vld.idx.msk [tilespmem:v8+s15+$0x0], $0xffff;
	v20 =	vadd.f32 v30, v27  }
0x101: {  	v30 =	vmul.f32 $3.200000000e+01, v37;
	v31 =	vmax.f32 v31, $0.0e+00;
	v27 =	vmin.f32 v17, $3.199999810e+01;
	v7 =	vld.idx.msk [tilespmem:v7+s15+$0x0], $0xffff;
	[tilespmem:s20+$0xFFFFFFF0] =	vst v13;
	s20 =	smov.u32 s16  }
0x102: {  	v17 =	vmin.f32 v31, $3.199999810e+01;
	v13 =	vmax.f32 v19, $0.0e+00;
	v19 =	vtrunc.f32 v27;
	v31 =	vld.idx.msk [tilespmem:v6+s15+$0x0], $0xffff  }
0x103: {  	v6 =	vmul.f32 $3.200000000e+01, v14;
	v13 =	vmin.f32 v13, $3.199999810e+01;
	v14 =	vcvt.f32.s32 v19;
	v19 =	vld.idx.msk [tilespmem:v9+s15+$0x0], $0xffff  }
0x104: {  	v9 =	vmul.f32 $3.200000000e+01, v15;
	v15 =	vmax.f32 v30, $0.0e+00;
	v30 =	vtrunc.f32 v13;
	v32 =	vld.idx.msk [tilespmem:v12+s15+$0x0], $0xffff  }
0x105: {  	v6 =	vmax.f32 v6, $0.0e+00;
	v30 =	vcvt.f32.s32 v30;
	v12 =	vmul.u32 $0x21, v14;
	v33 =	vld.idx.msk [tilespmem:v11+s15+$0x0], $0xffff  }
0x106: {  	v11 =	vtrunc.f32 v17;
	v9 =	vmax.f32 v9, $0.0e+00;
	v34 =	vmin.f32 v6, $3.199999810e+01;
	v35 =	vld.idx.msk [tilespmem:v3+s2+$0x0], $0xffff  }
0x107: {  	v36 =	vcvt.f32.s32 v11;
	v6 =	vtrunc.f32 v34;
	v11 =	vadd.s32 v30, v12;
	v37 =	vld.idx.msk [tilespmem:v3+s14+$0x0], $0xffff  }
0x108: {  	v12 =	vmin.f32 v15, $3.199999810e+01;
	v15 =	vcvt.f32.s32 v6;
	v6 =	vmul.u32 $0x21, v11;
	v38 =	vld.idx.msk [tilespmem:v3+s15+$0x0], $0xffff  }
0x109: {  	v3 =	vmin.f32 v9, $3.199999810e+01;
	v9 =	vtrunc.f32 v12;
	v11 =	vmul.u32 $0x21, v36  }
0x10a: {  	v39 =	vtrunc.f32 v3;
	v9 =	vcvt.f32.s32 v9;
	v40 =	vadd.s32 v15, v6  }
0x10b: {  	v20 =	vadd.f32 v20, v29;
	v29 =	vmul.f32 v10, v4;
	v6 =	vcvt.f32.s32 v39  }
0x10c: {  	v39 =	vmul.f32 v8, v5;
	v10 =	vcvt.s32.f32 v9;
	v9 =	vadd.s32 v9, v11  }
0x10d: {  	v41 =	vadd.s32 $0x1, v40;
	v8 =	vcvt.s32.f32 v6;
	v9 =	vmul.u32 $0x21, v9  }
0x10e: {  	v44 =	vmul.f32 v7, v1;
	v43 =	vadd.s32 $0x21, v40;
	v42 =	vsub.f32 v12, v10  }
0x10f: {  	v46 =	vadd.s32 $0x22, v40;
	v45 =	vsub.f32 v3, v8;
	v3 =	vadd.s32 v6, v9;
	v47 =	vld.idx.msk [tilespmem:v40+s2+$0x0], $0xffff  }
0x110: {  	s21 =	sadd.s32 $0x20, s21;
	v48 =	vadd.s32 $0x441, v40;
	v10 =	vadd.s32 $0x1, v3;
	v8 =	vadd.s32 $0x21, v3;
	v49 =	vld.idx.msk [tilespmem:v40+s14+$0x0], $0xffff  }
0x111: {  	p1 =	slt.u32 s21, $0x3E0;
	v50 =	vadd.s32 $0x442, v40;
	v7 =	vadd.s32 $0x22, v3;
	v6 =	vadd.s32 $0x441, v3;
	v51 =	vld.idx.msk [tilespmem:v40+s15+$0x0], $0xffff  }
0x112: {  	v52 =	vadd.s32 $0x462, v40;
	v9 =	vadd.s32 $0x442, v3;
	v12 =	vadd.s32 $0x462, v3;
	v53 =	vld.idx.msk [tilespmem:v41+s2+$0x0], $0xffff  }
0x113: {  	v11 =	vadd.s32 $0x463, v3;
	v54 =	vmul.f32 v42, v45;
	v40 =	vadd.s32 $0x463, v40;
	v55 =	vld.idx.msk [tilespmem:v43+s2+$0x0], $0xffff  }
0x114: {  	v31 =	vmul.f32 v31, v2;
	v19 =	vmul.f32 v19, v4;
	v56 =	vsub.f32 $1.000000000e+00, v45;
	v57 =	vld.idx.msk [tilespmem:v46+s2+$0x0], $0xffff  }
0x115: {  	v30 =	vcvt.s32.f32 v30;
	v15 =	vcvt.s32.f32 v15;
	v42 =	vsub.f32 v42, v54;
	v58 =	vld.idx.msk [tilespmem:v48+s2+$0x0], $0xffff  }
0x116: {  	v32 =	vmul.f32 v32, v5;
	v33 =	vmul.f32 v33, v1;
	v4 =	vsub.f32 v45, v54;
	v45 =	vld.idx.msk [tilespmem:v50+s2+$0x0], $0xffff  }
0x117: {  	v5 =	vsub.f32 v13, v30;
	v59 =	vmul.f32 v2, v35;
	v15 =	vsub.f32 v34, v15;
	v30 =	vld.idx.msk [tilespmem:v52+s2+$0x0], $0xffff  }
0x118: {  	v13 =	vmul.f32 v37, v2;
	v35 =	vmul.f32 v38, v2;
	v2 =	vsub.f32 v56, v42;
	v34 =	vld.idx.msk [tilespmem:v40+s2+$0x0], $0xffff  }
0x119: {  	v39 =	vadd.f32 v44, v39;
	v16 =	vadd.f32 v59, v16;
	v37 =	vmul.f32 v5, v15;
	v38 =	vld.idx.msk [tilespmem:v41+s14+$0x0], $0xffff  }
0x11a: {  	v36 =	vcvt.s32.f32 v36;
	v22 =	vadd.f32 v22, v13;
	v29 =	vadd.f32 v29, v35;
	v1 =	vmovc v54;
	v44 =	vld.idx.msk [tilespmem:v43+s14+$0x0], $0xffff  }
0x11b: {  	v13 =	vsub.f32 $1.000000000e+00, v15;
	v35 =	vsub.f32 v5, v37;
	v5 =	vmov v42;
	v54 =	vld.idx.msk [tilespmem:v46+s14+$0x0], $0xffff  }
0x11c: {  	v19 =	vadd.f32 v19, v31;
	v31 =	vadd.f32 v33, v32;
	v42 =	vld.idx.msk [tilespmem:v48+s14+$0x0], $0xffff  }
0x11d: {  	v32 =	vsub.f32 v13, v35;
	v13 =	vadd.f32 v16, v18;
	v33 =	vld.idx.msk [tilespmem:v50+s14+$0x0], $0xffff  }
0x11e: {  	v16 =	vcvt.s32.f32 v14;
	v18 =	vsub.f32 v15, v37;
	v14 =	vadd.f32 v28, v22;
	v56 =	vld.idx.msk [tilespmem:v52+s14+$0x0], $0xffff  }
0x11f: {  	v15 =	vadd.f32 v39, v29;
	v28 =	vmul.f32 v32, v47;
	v47 =	vmul.f32 v49, v32;
	v22 =	vld.idx.msk [tilespmem:v40+s14+$0x0], $0xffff  }
0x120: {  	v19 =	vadd.f32 v31, v19;
	v39 =	vmul.f32 v18, v53;
	v29 =	vld.idx.msk [tilespmem:v41+s15+$0x0], $0xffff;
	v41 =	vmul.f32 v51, v32  }
0x121: {  	v21 =	vsub.f32 v21, v13;
	v49 =	vmul.f32 v37, v57;
	v31 =	vld.idx.msk [tilespmem:v43+s15+$0x0], $0xffff;
	v43 =	vmul.f32 v35, v55  }
0x122: {  	v20 =	vsub.f32 v20, v14;
	v45 =	vmul.f32 v18, v45;
	v51 =	vmul.f32 v32, v58;
	v46 =	vld.idx.msk [tilespmem:v46+s15+$0x0], $0xffff  }
0x123: {  	v19 =	vsub.f32 v19, v15;
	v30 =	vmul.f32 v30, v35;
	v34 =	vmul.f32 v34, v37;
	v48 =	vld.idx.msk [tilespmem:v48+s15+$0x0], $0xffff  }
0x124: {  	v17 =	vsub.f32 v17, v36;
	v38 =	vmul.f32 v38, v18;
	v44 =	vmul.f32 v44, v35;
	v36 =	vld.idx.msk [tilespmem:v50+s15+$0x0], $0xffff  }
0x125: {  	v24 =	vadd.f32 v23, v24;
	v42 =	vmul.f32 v42, v32;
	v50 =	vld.idx.msk [tilespmem:v52+s15+$0x0], $0xffff;
	v52 =	vmul.f32 v54, v37  }
0x126: {  	v23 =	vadd.f32 v26, v25;
	v33 =	vmul.f32 v33, v18;
	v53 =	vmul.f32 v56, v35;
	v40 =	vld.idx.msk [tilespmem:v40+s15+$0x0], $0xffff  }
0x127: {  	v25 =	vsub.f32 v27, v16;
	v16 =	vmul.f32 v22, v37;
	v22 =	vmul.f32 v29, v18;
	v26 =	vld.idx.msk [tilespmem:v10+s2+$0x0], $0xffff  }
0x128: {  	v28 =	vadd.f32 v28, v39;
	v29 =	vmul.f32 v31, v35;
	v31 =	vmul.f32 v46, v37;
	v27 =	vld.idx.msk [tilespmem:v8+s2+$0x0], $0xffff  }
0x129: {  	v45 =	vadd.f32 v51, v45;
	v43 =	vadd.f32 v43, v49;
	v32 =	vmul.f32 v48, v32;
	v39 =	vld.idx.msk [tilespmem:v7+s2+$0x0], $0xffff  }
0x12a: {  	v30 =	vadd.f32 v34, v30;
	v38 =	vadd.f32 v38, v47;
	v18 =	vmul.f32 v36, v18;
	v46 =	vld.idx.msk [tilespmem:v6+s2+$0x0], $0xffff  }
0x12b: {  	v42 =	vadd.f32 v33, v42;
	v44 =	vadd.f32 v52, v44;
	v33 =	vmul.f32 v50, v35;
	v36 =	vld.idx.msk [tilespmem:v9+s2+$0x0], $0xffff  }
0x12c: {  	v47 =	vadd.f32 v16, v53;
	v22 =	vadd.f32 v22, v41;
	v34 =	vmul.f32 v40, v37;
	v35 =	vld.idx.msk [tilespmem:v12+s2+$0x0], $0xffff  }
0x12d: {  	v18 =	vadd.f32 v18, v32;
	v16 =	vmul.f32 v4, v26;
	v26 =	vadd.f32 v31, v29;
	v37 =	vld.idx.msk [tilespmem:v11+s2+$0x0], $0xffff  }
0x12e: {  	v28 =	vadd.f32 v28, v43;
	v31 =	vmul.f32 v5, v27;
	v29 =	vadd.f32 v34, v33;
	v41 =	vld.idx.msk [tilespmem:v10+s14+$0x0], $0xffff  }
0x12f: {  	v27 =	vadd.f32 v44, v38;
	v32 =	vmul.f32 v1, v39;
	v39 =	vadd.f32 v30, v45;
	v34 =	vld.idx.msk [tilespmem:v8+s14+$0x0], $0xffff  }
.Ltmp0:
0x130: {  	v40 =	vadd.f32 v47, v42;
	v26 =	vadd.f32 v26, v22;
	v38 =	vmul.f32 v2, v46;
	v33 =	vld.idx.msk [tilespmem:v7+s14+$0x0], $0xffff;
	(pc) =	sbr.rel @p1 .LBB2_3-.Ltmp0, $4  }
0x131: {  	v42 =	vadd.f32 v29, v18;
	v22 =	vmul.f32 v4, v36;
	v39 =	vsub.f32 v39, v28;
	v30 =	vld.idx.msk [tilespmem:v6+s14+$0x0], $0xffff  }
0x132: {  	v43 =	vsub.f32 v40, v27;
	v18 =	vadd.f32 v31, v32;
	v36 =	vmul.f32 v35, v5;
	v29 =	vld.idx.msk [tilespmem:v9+s14+$0x0], $0xffff  }
0x133: {  	v37 =	vmul.f32 v37, v1;
	v40 =	vmul.f32 v39, v25;
	v39 =	vsub.f32 v42, v26;
	v31 =	vld.idx.msk [tilespmem:v12+s14+$0x0], $0xffff  }
0x134: {  	s22 =	sadd.s32 $0x20, s22;
	v35 =	vadd.f32 v38, v22;
	v38 =	vmul.f32 v43, v25;
	v22 =	vmul.f32 v41, v4;
	v32 =	vld.idx.msk [tilespmem:v11+s14+$0x0], $0xffff  }
0x135: {  	_ =	sdelay $0x3  }
0x136: {  	v10 =	vld.idx.msk [tilespmem:v10+s15+$0x0], $0xffff  }
0x137: {  	v8 =	vld.idx.msk [tilespmem:v8+s15+$0x0], $0xffff  }
0x138: {  	v7 =	vld.idx.msk [tilespmem:v7+s15+$0x0], $0xffff  }
0x139: {  	v6 =	vld.idx.msk [tilespmem:v6+s15+$0x0], $0xffff  }
0x13a: {  	v9 =	vld.idx.msk [tilespmem:v9+s15+$0x0], $0xffff  }
0x13b: {  	v34 =	vmul.f32 v34, v5;
	v28 =	vadd.f32 v40, v28;
	v12 =	vld.idx.msk [tilespmem:v12+s15+$0x0], $0xffff  }
0x13c: {  	v25 =	vmul.f32 v39, v25;
	v36 =	vadd.f32 v37, v36;
	v33 =	vmul.f32 v33, v1;
	v53 =	vld.idx.msk [tilespmem:v3+s14+$0x0], $0xffff  }
0x13d: {  	v52 =	vld.idx.msk [tilespmem:v3+s2+$0x0], $0xffff;
	v27 =	vadd.f32 v38, v27;
	v30 =	vmul.f32 v30, v2;
	v29 =	vmul.f32 v29, v4  }
0x13e: {  	v11 =	vld.idx.msk [tilespmem:v11+s15+$0x0], $0xffff;
	v25 =	vadd.f32 v25, v26;
	v26 =	vmul.f32 v31, v5;
	v31 =	vmul.f32 v32, v1  }
0x13f: {  	v3 =	vld.idx.msk [tilespmem:v3+s15+$0x0], $0xffff;
	v54 =	vadd.f32 v36, v35;
	v10 =	vmul.f32 v10, v4;
	v8 =	vmul.f32 v8, v5  }
0x140: {  	v29 =	vadd.f32 v29, v30;
	v7 =	vmul.f32 v7, v1;
	v6 =	vmul.f32 v6, v2  }
0x141: {  	v30 =	vadd.f32 v33, v34;
	v4 =	vmul.f32 v9, v4;
	v9 =	vmul.f32 v53, v2  }
0x142: {  	v5 =	vmul.f32 v12, v5;
	v26 =	vadd.f32 v31, v26;
	v31 =	vmul.f32 v2, v52  }
0x143: {  	v1 =	vmul.f32 v11, v1;
	v7 =	vadd.f32 v7, v8;
	v8 =	vadd.f32 v22, v9  }
0x144: {  	v2 =	vmul.f32 v3, v2;
	v4 =	vadd.f32 v4, v6;
	v3 =	vadd.f32 v31, v16  }
0x145: {  	v1 =	vadd.f32 v1, v5;
	v26 =	vadd.f32 v26, v29  }
0x146: {  	[tilespmem:s9+$0xFFFFFFF0] =	vst v24;
	v2 =	vadd.f32 v10, v2;
	v3 =	vadd.f32 v3, v18  }
0x147: {  	s6 =	sadd.s32 $0x20, s16;
	[tilespmem:s19+$0xFFFFFFF0] =	vst v23;
	v5 =	vmul.f32 v21, v0;
	v6 =	vadd.f32 v30, v8;
	v1 =	vadd.f32 v1, v4  }
0x148: {  	s22 =	sadd.s32 $0x20, s0;
	[tilespmem:s6+$0x0] =	vst v28;
	v2 =	vadd.f32 v7, v2;
	v7 =	vmul.f32 v20, v0;
	v4 =	vsub.f32 v54, v3  }
0x149: {  	s13 =	sadd.s32 $0x20, s3;
	[tilespmem:s22+$0x0] =	vst v27;
	v5 =	vadd.f32 v5, v13;
	v0 =	vmul.f32 v19, v0;
	v8 =	vsub.f32 v26, v6  }
0x14a: {  	[tilespmem:s13+$0x0] =	vst v25;
	v1 =	vsub.f32 v1, v2;
	v7 =	vadd.f32 v7, v14;
	v4 =	vmul.f32 v4, v17  }
0x14b: {  	[tilespmem:s20+$0xFFFFFFF0] =	vst v5;
	v0 =	vadd.f32 v0, v15;
	v5 =	vmul.f32 v8, v17  }
0x14c: {  	[tilespmem:s0+$0xFFFFFFF0] =	vst v7;
	v1 =	vmul.f32 v1, v17;
	v3 =	vadd.f32 v4, v3  }
0x14d: {  	[tilespmem:s3+$0xFFFFFFF0] =	vst v0;
	v0 =	vadd.f32 v5, v6  }
0x14e: {  	v1 =	vadd.f32 v1, v2;
	[tilespmem:s6+$0xFFFFFFF0] =	vst v3  }
0x14f: {  	[tilespmem:s22+$0xFFFFFFF0] =	vst v0  }
0x150: {  	s6 =	sadd.s32 s4, s11;
	[tilespmem:s13+$0xFFFFFFF0] =	vst v1  }
0x151: {  	[hbm4b:s6+s2] =	stream.linear.scatter [tilespmem:s24], [sflag:$0x3], $0x400, $0x38;
	[tilespmem:$0x1D580] =	vst v63  }
0x152: {  	s9 =	sadd.s32 $0x8000, s6  }
0x153: {  	[hbm4b:s9+s2] =	stream.linear.scatter [tilespmem:s25], [sflag:$0x3], $0x400, $0x38;
	[tilespmem:$0x1D580] =	vst v63  }
0x154: {  	p1 =	seq.s32 s17, $0xF;
	s0 =	sadd.s32 $0x10000, s6  }
0x155: {  	[hbm4b:s0+s2] =	stream.linear.scatter [tilespmem:s26], [sflag:$0x3], $0x400, $0x38;
	[tilespmem:$0x1D580] =	vst v63  }
0x156: {  	s0 =	sadd.s32 @!p1 s10, s12  }
0x157: {  	s0 =	sshrl.u32 @!p1 s0, $0x3  }
0x158: {  	s3 =	simm.s32 @!p1 $0x0;
	s6 =	simm.s32 @!p1 $0x1A580;
	s0 =	sadd.s32 @!p1 s1, s0  }
0x159: {  	[tilespmem:s6], [sflag:$0x1] =	stream.linear.gather @!p1 [hbm4b:s0+s3], $0x400, $0x38;
	[tilespmem:$0x1D580] =	vst v63  }
0x15a: {  	s9 =	simm.s32 @!p1 $0x1A980;
	s6 =	sadd.s32 @!p1 $0x8000, s0  }
0x15b: {  	[tilespmem:s9], [sflag:$0x1] =	stream.linear.gather @!p1 [hbm4b:s6+s3], $0x400, $0x38;
	[tilespmem:$0x1D580] =	vst v63  }
0x15c: {  	s0 =	sadd.s32 @!p1 $0x10000, s0;
	s6 =	simm.s32 @!p1 $0x1AD80  }
0x15d: {  	[tilespmem:s6], [sflag:$0x1] =	stream.linear.gather @!p1 [hbm4b:s0+s3], $0x400, $0x38;
	[tilespmem:$0x1D580] =	vst v63  }
0x15e: {  	_ =	swait.ge [sflag:s28], $0x400  }
0x15f: {  	[sflag:s28] =	ssyncset.done $0x0  }
0x160: {  	[sflag:s28] =	ssyncadd.s32 $0xFFFFFC00  }
0x161: {  	_ =	swait.ge [sflag:s28], $0x400  }
0x162: {  	[sflag:s28] =	ssyncset.done $0x0  }
0x163: {  	[sflag:s28] =	ssyncadd.s32 $0xFFFFFC00  }
0x164: {  	_ =	swait.ge [sflag:s28], $0x400  }
0x165: {  	[sflag:s28] =	ssyncset.done $0x0  }
0x166: {  	s0 =	simm.s32 @!p0 $0x4;
	[sflag:s28] =	ssyncadd.s32 $0xFFFFFC00  }
0x167: {  	_ =	swait.ge @!p0 [sflag:s0], $0x400  }
0x168: {  	[sflag:s0] =	ssyncset.done @!p0 $0x0  }
0x169: {  	[sflag:s0] =	ssyncadd.s32 @!p0 $0xFFFFFC00  }
0x16a: {  	_ =	swait.ge @!p0 [sflag:s0], $0x400  }
0x16b: {  	[sflag:s0] =	ssyncset.done @!p0 $0x0  }
0x16c: {  	[sflag:s0] =	ssyncadd.s32 @!p0 $0xFFFFFC00  }
0x16d: {  	_ =	swait.ge @!p0 [sflag:s0], $0x400  }
0x16e: {  	[sflag:s0] =	ssyncset.done @!p0 $0x0  }
0x16f: {  	s10 =	simm.s32 $0x1C590;
	[sflag:s0] =	ssyncadd.s32 @!p0 $0xFFFFFC00  }
0x170: {  	v0 =	vld [tilespmem:s10+$0x0]  }
0x171: {  	s11 =	simm.s32 $0x1C190  }
0x172: {  	v1 =	vld [tilespmem:s11+$0x0];
	_ =	sdelay $0x1  }
0x173: {  	s13 =	simm.s32 $0x1BD90  }
0x174: {  	v2 =	vld [tilespmem:s13+$0x0];
	v0 =	vmul.f32 $3.200000000e+01, v0;
	_ =	sdelay $0x1  }
0x175: {  	v1 =	vmul.f32 $3.200000000e+01, v1;
	v0 =	vmax.f32 v0, $0.0e+00  }
0x176: {  	v4 =	vmin.f32 v0, $3.199999810e+01  }
0x177: {  	v0 =	vmax.f32 v1, $0.0e+00;
	v1 =	vtrunc.f32 v4  }
0x178: {  	v2 =	vmul.f32 $3.200000000e+01, v2;
	v0 =	vmin.f32 v0, $3.199999810e+01;
	v1 =	vcvt.f32.s32 v1  }
0x179: {  	v3 =	vtrunc.f32 v0  }
0x17a: {  	v2 =	vmax.f32 v2, $0.0e+00;
	v3 =	vcvt.f32.s32 v3;
	v5 =	vmul.u32 $0x21, v1  }
0x17b: {  	v2 =	vmin.f32 v2, $3.199999810e+01  }
0x17c: {  	v6 =	vtrunc.f32 v2;
	v5 =	vadd.s32 v3, v5  }
0x17d: {  	v6 =	vcvt.f32.s32 v6;
	v5 =	vmul.u32 $0x21, v5;
	_ =	sdelay $0x1  }
0x17e: {  	v5 =	vadd.s32 v6, v5;
	_ =	sdelay $0x1  }
0x17f: {  	v7 =	vld [tilespmem:s10+$0xFFFFFFF0]  }
0x180: {  	v8 =	vld [tilespmem:s11+$0xFFFFFFF0];
	v12 =	vadd.s32 $0x21, v5  }
0x181: {  	v9 =	vld [tilespmem:s13+$0xFFFFFFF0];
	v16 =	vadd.s32 $0x22, v5  }
0x182: {  	v21 =	vadd.s32 $0x462, v5;
	v11 =	vld.idx.msk [tilespmem:v5+s2+$0x0], $0xffff  }
0x183: {  	v22 =	vadd.s32 $0x463, v5;
	v13 =	vld.idx.msk [tilespmem:v5+s14+$0x0], $0xffff  }
0x184: {  	v7 =	vmul.f32 $3.200000000e+01, v7;
	v20 =	vld.idx.msk [tilespmem:v5+s15+$0x0], $0xffff  }
0x185: {  	v3 =	vcvt.s32.f32 v3;
	v23 =	vld.idx.msk [tilespmem:v12+s2+$0x0], $0xffff  }
0x186: {  	v8 =	vmul.f32 $3.200000000e+01, v8;
	v7 =	vmax.f32 v7, $0.0e+00;
	v25 =	vld.idx.msk [tilespmem:v16+s2+$0x0], $0xffff  }
0x187: {  	v18 =	vmin.f32 v7, $3.199999810e+01;
	v7 =	vmul.f32 $3.200000000e+01, v9;
	v0 =	vsub.f32 v0, v3;
	v3 =	vld.idx.msk [tilespmem:v21+s2+$0x0], $0xffff  }
0x188: {  	v8 =	vmax.f32 v8, $0.0e+00;
	v6 =	vcvt.s32.f32 v6;
	v28 =	vld.idx.msk [tilespmem:v22+s2+$0x0], $0xffff  }
0x189: {  	v8 =	vmin.f32 v8, $3.199999810e+01;
	v14 =	vtrunc.f32 v18;
	v7 =	vmax.f32 v7, $0.0e+00;
	v55 =	vld.idx.msk [tilespmem:v12+s14+$0x0], $0xffff  }
0x18a: {  	v24 =	vcvt.f32.s32 v14;
	v7 =	vmin.f32 v7, $3.199999810e+01;
	v2 =	vsub.f32 v2, v6;
	v57 =	vld.idx.msk [tilespmem:v16+s14+$0x0], $0xffff  }
0x18b: {  	v15 =	vtrunc.f32 v7;
	v10 =	vadd.s32 $0x1, v5;
	v17 =	vadd.s32 $0x441, v5;
	v62 =	vld.idx.msk [tilespmem:v21+s14+$0x0], $0xffff  }
0x18c: {  	v19 =	vadd.s32 $0x442, v5;
	v29 =	vmul.f32 v0, v2;
	v5 =	vtrunc.f32 v8;
	v63 =	vld.idx.msk [tilespmem:v22+s14+$0x0], $0xffff  }
0x18d: {  	v14 =	vmul.u32 $0x21, v24;
	v1 =	vcvt.s32.f32 v1;
	v5 =	vcvt.f32.s32 v5;
	v45 =	vld.idx.msk [tilespmem:v12+s15+$0x0], $0xffff  }
0x18e: {  	v24 =	vcvt.s32.f32 v24;
	v6 =	vcvt.f32.s32 v15;
	v56 =	vsub.f32 v0, v29;
	v16 =	vld.idx.msk [tilespmem:v16+s15+$0x0], $0xffff  }
0x18f: {  	v4 =	vsub.f32 v4, v1;
	v21 =	vld.idx.msk [tilespmem:v21+s15+$0x0], $0xffff;
	v15 =	vcvt.s32.f32 v5;
	v5 =	vadd.s32 v5, v14  }
0x190: {  	v22 =	vld.idx.msk [tilespmem:v22+s15+$0x0], $0xffff;
	v14 =	vcvt.s32.f32 v6;
	v5 =	vmul.u32 $0x21, v5;
	v23 =	vmul.f32 v56, v23  }
0x191: {  	v31 =	vsub.f32 v8, v15;
	v25 =	vmul.f32 v29, v25;
	v28 =	vmul.f32 v28, v29  }
0x192: {  	v9 =	vld.idx.msk [tilespmem:v10+s2+$0x0], $0xffff;
	v8 =	vsub.f32 $1.000000000e+00, v2;
	v32 =	vmul.f32 v55, v56;
	v34 =	vmul.f32 v57, v29  }
0x193: {  	v27 =	vld.idx.msk [tilespmem:v19+s2+$0x0], $0xffff;
	v58 =	vsub.f32 v7, v14;
	v48 =	vmul.f32 v62, v56;
	v1 =	vmul.f32 v63, v29  }
0x194: {  	v30 =	vld.idx.msk [tilespmem:v10+s14+$0x0], $0xffff;
	v2 =	vsub.f32 v2, v29;
	v53 =	vmul.f32 v45, v56;
	v54 =	vmul.f32 v16, v29  }
0x195: {  	v43 =	vld.idx.msk [tilespmem:v10+s15+$0x0], $0xffff;
	v5 =	vadd.s32 v6, v5;
	v21 =	vmul.f32 v21, v56;
	v22 =	vmul.f32 v22, v29  }
0x196: {  	v15 =	vadd.s32 $0x1, v5;
	v14 =	vadd.s32 $0x21, v5;
	v7 =	vadd.s32 $0x22, v5  }
0x197: {  	v6 =	vadd.s32 $0x441, v5;
	v60 =	vsub.f32 v8, v56;
	v0 =	vmul.f32 v31, v58  }
0x198: {  	v26 =	vld.idx.msk [tilespmem:v17+s2+$0x0], $0xffff;
	v8 =	vadd.s32 $0x442, v5;
	v44 =	vmul.f32 v2, v9;
	v10 =	vsub.f32 $1.000000000e+00, v58  }
0x199: {  	v59 =	vld.idx.msk [tilespmem:v17+s14+$0x0], $0xffff;
	v27 =	vmul.f32 v2, v27;
	v30 =	vmul.f32 v30, v2;
	v23 =	vadd.f32 v23, v25  }
0x19a: {  	v61 =	vld.idx.msk [tilespmem:v19+s14+$0x0], $0xffff;
	v50 =	vmul.f32 v43, v2;
	v1 =	vadd.f32 v1, v48;
	v21 =	vadd.f32 v22, v21  }
0x19b: {  	v17 =	vld.idx.msk [tilespmem:v17+s15+$0x0], $0xffff;
	v41 =	vmul.f32 v60, v11;
	v11 =	vadd.s32 $0x462, v5;
	v42 =	vmul.f32 v13, v60  }
0x19c: {  	v19 =	vld.idx.msk [tilespmem:v19+s15+$0x0], $0xffff;
	v13 =	vadd.s32 $0x463, v5;
	v20 =	vmul.f32 v20, v60;
	v9 =	vsub.f32 v31, v0  }
0x19d: {  	v26 =	vmul.f32 v60, v26;
	v31 =	vmul.f32 v3, v56;
	v12 =	vsub.f32 v58, v0  }
0x19e: {  	v3 =	vsub.f32 v18, v24;
	v18 =	vmul.f32 v59, v60;
	v10 =	vsub.f32 v10, v9;
	v63 =	vld.idx.msk [tilespmem:v5+s14+$0x0], $0xffff  }
0x19f: {  	v24 =	vmul.f32 v61, v2;
	v52 =	vadd.f32 v41, v44;
	v25 =	vadd.f32 v26, v27;
	v49 =	vld.idx.msk [tilespmem:v15+s2+$0x0], $0xffff  }
0x1a0: {  	v17 =	vmul.f32 v17, v60;
	v27 =	vadd.f32 v28, v31;
	v28 =	vadd.f32 v30, v42;
	v26 =	vld.idx.msk [tilespmem:v6+s2+$0x0], $0xffff  }
0x1a1: {  	v2 =	vmul.f32 v19, v2;
	v30 =	vadd.f32 v34, v32;
	v18 =	vadd.f32 v24, v18;
	v19 =	vld.idx.msk [tilespmem:v8+s2+$0x0], $0xffff  }
0x1a2: {  	v20 =	vadd.f32 v50, v20;
	v31 =	vadd.f32 v54, v53;
	v24 =	vld.idx.msk [tilespmem:v11+s2+$0x0], $0xffff  }
0x1a3: {  	v2 =	vadd.f32 v2, v17;
	v23 =	vadd.f32 v52, v23;
	v29 =	vld.idx.msk [tilespmem:v13+s2+$0x0], $0xffff  }
0x1a4: {  	v51 =	vld.idx.msk [tilespmem:v14+s2+$0x0], $0xffff;
	v25 =	vadd.f32 v27, v25;
	v27 =	vadd.f32 v30, v28  }
0x1a5: {  	s16 =	simm.s32 $0x1C5B0;
	v55 =	vld.idx.msk [tilespmem:v7+s2+$0x0], $0xffff;
	v1 =	vadd.f32 v1, v18;
	v20 =	vadd.f32 v31, v20  }
0x1a6: {  	v30 =	vld [tilespmem:s16+$0x0];
	v2 =	vadd.f32 v21, v2;
	v25 =	vsub.f32 v25, v23  }
0x1a7: {  	s19 =	simm.s32 $0x1C1B0;
	v57 =	vld.idx.msk [tilespmem:v14+s14+$0x0], $0xffff;
	v1 =	vsub.f32 v1, v27;
	v26 =	vmul.f32 v10, v26;
	v19 =	vmul.f32 v12, v19  }
0x1a8: {  	v2 =	vsub.f32 v2, v20;
	v21 =	vmul.f32 v24, v9;
	v24 =	vmul.f32 v29, v0;
	v29 =	vld [tilespmem:s19+$0x0]  }
0x1a9: {  	v28 =	vld.idx.msk [tilespmem:v7+s14+$0x0], $0xffff;
	v25 =	vmul.f32 v25, v4  }
0x1aa: {  	s20 =	simm.s32 $0x1BDB0;
	v17 =	vld.idx.msk [tilespmem:v15+s14+$0x0], $0xffff;
	v2 =	vmul.f32 v2, v4;
	v19 =	vadd.f32 v26, v19;
	v26 =	vmul.f32 v1, v4  }
0x1ab: {  	v1 =	vadd.f32 v25, v23;
	v23 =	vld [tilespmem:s20+$0x0];
	v21 =	vadd.f32 v24, v21;
	v24 =	vmul.f32 $3.200000000e+01, v30  }
0x1ac: {  	v58 =	vld.idx.msk [tilespmem:v8+s14+$0x0], $0xffff;
	v56 =	vmul.f32 v9, v51;
	v22 =	vmul.f32 v0, v55  }
0x1ad: {  	v15 =	vld.idx.msk [tilespmem:v15+s15+$0x0], $0xffff;
	v2 =	vadd.f32 v2, v20;
	v20 =	vmax.f32 v24, $0.0e+00;
	v29 =	vmul.f32 $3.200000000e+01, v29  }
0x1ae: {  	v14 =	vld.idx.msk [tilespmem:v14+s15+$0x0], $0xffff;
	v33 =	vmul.f32 v57, v9;
	v28 =	vmul.f32 v28, v0;
	v20 =	vmin.f32 v20, $3.199999810e+01  }
0x1af: {  	v35 =	vld.idx.msk [tilespmem:v6+s15+$0x0], $0xffff;
	v18 =	vadd.f32 v56, v22;
	v30 =	vtrunc.f32 v20;
	v29 =	vmax.f32 v29, $0.0e+00  }
0x1b0: {  	v31 =	vld.idx.msk [tilespmem:v6+s14+$0x0], $0xffff;
	v23 =	vmul.f32 $3.200000000e+01, v23;
	v30 =	vcvt.f32.s32 v30;
	v29 =	vmin.f32 v29, $3.199999810e+01  }
0x1b1: {  	v22 =	vmul.f32 v17, v12;
	v17 =	vld.idx.msk [tilespmem:v11+s14+$0x0], $0xffff;
	v4 =	vadd.f32 v26, v27;
	v59 =	vtrunc.f32 v29  }
0x1b2: {  	v27 =	vld.idx.msk [tilespmem:v13+s14+$0x0], $0xffff;
	v23 =	vmax.f32 v23, $0.0e+00;
	v60 =	vmul.u32 $0x21, v30;
	v32 =	vcvt.f32.s32 v59  }
0x1b3: {  	v24 =	vld [tilespmem:s19+$0xFFFFFFF0];
	v23 =	vmin.f32 v23, $3.199999810e+01  }
0x1b4: {  	v25 =	vld [tilespmem:s16+$0xFFFFFFF0];
	v28 =	vadd.f32 v28, v33;
	v61 =	vtrunc.f32 v23;
	v33 =	vadd.s32 v32, v60  }
0x1b5: {  	v7 =	vld.idx.msk [tilespmem:v7+s15+$0x0], $0xffff;
	v34 =	vcvt.f32.s32 v61;
	v6 =	vmul.u32 $0x21, v33  }
0x1b6: {  	v26 =	vmul.f32 v31, v10;
	v31 =	vld [tilespmem:s20+$0xFFFFFFF0];
	v21 =	vadd.f32 v21, v19;
	v19 =	vmul.f32 v58, v12  }
0x1b7: {  	v17 =	vmul.f32 v17, v9;
	v33 =	vld.idx.msk [tilespmem:v11+s15+$0x0], $0xffff;
	v11 =	vadd.s32 v34, v6  }
0x1b8: {  	v19 =	vadd.f32 v19, v26;
	v26 =	vld.idx.msk [tilespmem:v8+s15+$0x0], $0xffff;
	v27 =	vmul.f32 v27, v0;
	v24 =	vmul.f32 $3.200000000e+01, v24  }
0x1b9: {  	v63 =	vmul.f32 v63, v10;
	v25 =	vmul.f32 $3.200000000e+01, v25;
	v60 =	vld.idx.msk [tilespmem:v5+s15+$0x0], $0xffff  }
0x1ba: {  	v24 =	vmax.f32 v24, $0.0e+00;
	v6 =	vadd.f32 v27, v17;
	v27 =	vld.idx.msk [tilespmem:v13+s15+$0x0], $0xffff;
	v39 =	vadd.s32 $0x1, v11  }
0x1bb: {  	v16 =	vmul.f32 v12, v49;
	v13 =	vmin.f32 v24, $3.199999810e+01;
	v24 =	vld.idx.msk [tilespmem:v5+s2+$0x0], $0xffff;
	v41 =	vadd.s32 $0x21, v11  }
0x1bc: {  	v35 =	vmul.f32 v35, v10;
	v25 =	vmax.f32 v25, $0.0e+00;
	v43 =	vadd.s32 $0x22, v11;
	v44 =	vld.idx.msk [tilespmem:v11+s2+$0x0], $0xffff  }
0x1bd: {  	v8 =	vmul.f32 $3.200000000e+01, v31;
	v25 =	vmin.f32 v25, $3.199999810e+01;
	v45 =	vadd.s32 $0x441, v11;
	v46 =	vld.idx.msk [tilespmem:v11+s14+$0x0], $0xffff  }
0x1be: {  	v49 =	vmul.f32 v7, v0;
	v31 =	vtrunc.f32 v25;
	v47 =	vadd.s32 $0x442, v11;
	v48 =	vld.idx.msk [tilespmem:v11+s15+$0x0], $0xffff  }
0x1bf: {  	v8 =	vmax.f32 v8, $0.0e+00;
	v30 =	vcvt.s32.f32 v30;
	v50 =	vadd.s32 $0x462, v11;
	v51 =	vld.idx.msk [tilespmem:v39+s2+$0x0], $0xffff  }
0x1c0: {  	v31 =	vcvt.f32.s32 v31;
	v8 =	vmin.f32 v8, $3.199999810e+01;
	v53 =	vadd.s32 $0x463, v11;
	v54 =	vld.idx.msk [tilespmem:v41+s2+$0x0], $0xffff  }
0x1c1: {  	v61 =	vmul.f32 v15, v12;
	v59 =	vtrunc.f32 v8;
	v55 =	vld.idx.msk [tilespmem:v43+s2+$0x0], $0xffff  }
0x1c2: {  	v22 =	vadd.f32 v22, v63;
	v26 =	vmul.f32 v26, v12;
	v32 =	vcvt.s32.f32 v32;
	v56 =	vld.idx.msk [tilespmem:v45+s2+$0x0], $0xffff  }
0x1c3: {  	v30 =	vsub.f32 v20, v30;
	v34 =	vcvt.s32.f32 v34;
	v17 =	vtrunc.f32 v13;
	v57 =	vld.idx.msk [tilespmem:v47+s2+$0x0], $0xffff  }
0x1c4: {  	v62 =	vmul.u32 $0x21, v31;
	v5 =	vcvt.f32.s32 v59;
	v17 =	vcvt.f32.s32 v17;
	v59 =	vld.idx.msk [tilespmem:v50+s2+$0x0], $0xffff  }
0x1c5: {  	v29 =	vsub.f32 v29, v32;
	v23 =	vsub.f32 v23, v34;
	v33 =	vmul.f32 v33, v9;
	v32 =	vld.idx.msk [tilespmem:v53+s2+$0x0], $0xffff  }
0x1c6: {  	v15 =	vadd.s32 v17, v62;
	v62 =	vmul.f32 v14, v9;
	v9 =	vmul.f32 v10, v24;
	v24 =	vld.idx.msk [tilespmem:v39+s14+$0x0], $0xffff  }
0x1c7: {  	v38 =	vadd.f32 v6, v19;
	v6 =	vcvt.s32.f32 v17;
	v14 =	vcvt.s32.f32 v5;
	v40 =	vld.idx.msk [tilespmem:v43+s14+$0x0], $0xffff  }
0x1c8: {  	v26 =	vadd.f32 v26, v35;
	v37 =	vmul.f32 v29, v23;
	v10 =	vmul.f32 v60, v10;
	v60 =	vld.idx.msk [tilespmem:v47+s14+$0x0], $0xffff  }
0x1c9: {  	v0 =	vmul.f32 v27, v0;
	v27 =	vsub.f32 $1.000000000e+00, v23;
	v36 =	vadd.f32 v49, v62;
	v62 =	vld.idx.msk [tilespmem:v53+s14+$0x0], $0xffff  }
0x1ca: {  	v15 =	vmul.u32 $0x21, v15;
	v13 =	vsub.f32 v13, v6;
	v52 =	vsub.f32 v8, v14;
	v39 =	vld.idx.msk [tilespmem:v39+s15+$0x0], $0xffff  }
0x1cb: {  	v31 =	vcvt.s32.f32 v31;
	v29 =	vsub.f32 v29, v37;
	v23 =	vsub.f32 v23, v37;
	v43 =	vld.idx.msk [tilespmem:v43+s15+$0x0], $0xffff  }
0x1cc: {  	v47 =	vld.idx.msk [tilespmem:v47+s15+$0x0], $0xffff;
	v6 =	vadd.s32 v5, v15;
	v16 =	vadd.f32 v9, v16;
	v10 =	vadd.f32 v61, v10  }
0x1cd: {  	v53 =	vld.idx.msk [tilespmem:v53+s15+$0x0], $0xffff;
	v0 =	vadd.f32 v0, v33;
	v19 =	vadd.s32 $0x1, v6;
	v17 =	vadd.s32 $0x21, v6  }
0x1ce: {  	v61 =	vld.idx.msk [tilespmem:v50+s14+$0x0], $0xffff;
	v11 =	vmul.f32 v13, v52;
	v58 =	vsub.f32 $1.000000000e+00, v52;
	v27 =	vsub.f32 v27, v29  }
0x1cf: {  	v50 =	vld.idx.msk [tilespmem:v50+s15+$0x0], $0xffff;
	v15 =	vadd.s32 $0x22, v6;
	v42 =	vadd.f32 v16, v18;
	v16 =	vadd.f32 v28, v22  }
0x1d0: {  	v14 =	vadd.s32 $0x441, v6;
	v5 =	vsub.f32 v13, v11;
	v13 =	vsub.f32 v52, v11;
	v52 =	vld.idx.msk [tilespmem:v41+s14+$0x0], $0xffff  }
0x1d1: {  	v8 =	vadd.s32 $0x442, v6;
	v18 =	vadd.f32 v36, v10;
	v0 =	vadd.f32 v0, v26;
	v41 =	vld.idx.msk [tilespmem:v41+s15+$0x0], $0xffff  }
0x1d2: {  	v44 =	vmul.f32 v27, v44;
	v46 =	vmul.f32 v46, v27;
	v12 =	vsub.f32 v58, v5;
	v58 =	vld.idx.msk [tilespmem:v45+s14+$0x0], $0xffff  }
0x1d3: {  	s21 =	simm.s32 $0x1C5D0;
	v28 =	vmul.f32 v48, v27;
	v10 =	vmul.f32 v29, v54;
	v54 =	vsub.f32 v0, v18;
	v45 =	vld.idx.msk [tilespmem:v45+s15+$0x0], $0xffff  }
0x1d4: {  	v0 =	vsub.f32 v25, v31;
	v31 =	vmul.f32 v61, v29;
	v61 =	vmul.f32 v43, v37;
	v43 =	vld [tilespmem:s21+$0x0]  }
0x1d5: {  	v9 =	vadd.s32 $0x463, v6;
	v22 =	vmul.f32 v23, v51;
	v63 =	vmul.f32 v23, v57;
	v57 =	vld.idx.msk [tilespmem:v19+s2+$0x0], $0xffff  }
0x1d6: {  	v26 =	vmul.f32 v27, v56;
	v51 =	vsub.f32 v21, v42;
	v21 =	vmul.f32 v59, v29;
	v59 =	vld.idx.msk [tilespmem:v17+s2+$0x0], $0xffff  }
0x1d7: {  	v7 =	vadd.s32 $0x462, v6;
	v36 =	vmul.f32 v37, v55;
	v20 =	vmul.f32 v62, v37;
	v62 =	vld.idx.msk [tilespmem:v15+s2+$0x0], $0xffff  }
0x1d8: {  	v32 =	vmul.f32 v32, v37;
	v38 =	vsub.f32 v38, v16;
	v26 =	vadd.f32 v26, v63;
	v63 =	vld.idx.msk [tilespmem:v14+s2+$0x0], $0xffff  }
0x1d9: {  	v24 =	vmul.f32 v24, v23;
	v40 =	vmul.f32 v40, v37;
	v22 =	vadd.f32 v44, v22;
	v48 =	vld.idx.msk [tilespmem:v8+s2+$0x0], $0xffff  }
0x1da: {  	s10 =	simm.s32 $0x1C1D0;
	v25 =	vmul.f32 v60, v23;
	v10 =	vadd.f32 v10, v36;
	v21 =	vadd.f32 v32, v21;
	v56 =	vld.idx.msk [tilespmem:v9+s2+$0x0], $0xffff  }
0x1db: {  	v55 =	vmul.f32 v53, v37;
	v24 =	vadd.f32 v24, v46;
	v46 =	vld [tilespmem:s10+$0x0];
	v31 =	vadd.f32 v20, v31  }
0x1dc: {  	v52 =	vmul.f32 v52, v29;
	v60 =	vmul.f32 v41, v29;
	v21 =	vadd.f32 v21, v26;
	v26 =	vld.idx.msk [tilespmem:v15+s14+$0x0], $0xffff  }
0x1dd: {  	v29 =	vmul.f32 v50, v29;
	v10 =	vadd.f32 v22, v10;
	v15 =	vld.idx.msk [tilespmem:v15+s15+$0x0], $0xffff;
	v49 =	vmul.f32 v58, v27  }
0x1de: {  	v58 =	vmul.f32 v39, v23;
	v27 =	vmul.f32 v45, v27;
	v40 =	vadd.f32 v40, v52;
	v52 =	vld.idx.msk [tilespmem:v7+s2+$0x0], $0xffff  }
0x1df: {  	v23 =	vmul.f32 v47, v23;
	v22 =	vadd.f32 v55, v29;
	v29 =	vld.idx.msk [tilespmem:v17+s14+$0x0], $0xffff;
	v20 =	vmul.f32 v13, v57  }
0x1e0: {  	v39 =	vadd.f32 v61, v60;
	v61 =	vld.idx.msk [tilespmem:v7+s14+$0x0], $0xffff;
	v57 =	vmul.f32 v5, v59;
	v59 =	vmul.f32 v12, v63  }
0x1e1: {  	v21 =	vsub.f32 v21, v10;
	v45 =	vld [tilespmem:s21+$0xFFFFFFF0];
	v32 =	vmul.f32 v13, v48;
	v37 =	vmul.f32 v56, v11  }
0x1e2: {  	s6 =	simm.s32 $0x1BDD0;
	v63 =	vld.idx.msk [tilespmem:v9+s14+$0x0], $0xffff;
	v36 =	vmul.f32 $3.200000000e+01, v46;
	v25 =	vadd.f32 v25, v49;
	v28 =	vadd.f32 v58, v28  }
0x1e3: {  	v48 =	vld [tilespmem:s6+$0x0];
	v23 =	vadd.f32 v23, v27;
	v24 =	vadd.f32 v40, v24;
	v58 =	vmul.f32 v11, v62  }
0x1e4: {  	v56 =	vld.idx.msk [tilespmem:v17+s15+$0x0], $0xffff;
	v62 =	vmul.f32 v21, v30;
	v32 =	vadd.f32 v59, v32;
	v26 =	vmul.f32 v26, v11  }
0x1e5: {  	v27 =	vld.idx.msk [tilespmem:v19+s14+$0x0], $0xffff;
	v15 =	vmul.f32 v15, v11;
	v25 =	vadd.f32 v31, v25;
	v28 =	vadd.f32 v39, v28  }
0x1e6: {  	v31 =	vld.idx.msk [tilespmem:v14+s14+$0x0], $0xffff;
	v22 =	vadd.f32 v22, v23;
	v21 =	vadd.f32 v57, v58;
	v60 =	vmul.f32 v52, v5  }
0x1e7: {  	v23 =	vld.idx.msk [tilespmem:v8+s14+$0x0], $0xffff;
	v44 =	vmul.f32 v29, v5;
	v47 =	vmul.f32 v61, v5;
	v25 =	vsub.f32 v25, v24  }
0x1e8: {  	v49 =	vld [tilespmem:s10+$0xFFFFFFF0];
	v35 =	vmul.f32 $3.200000000e+01, v45;
	v22 =	vsub.f32 v22, v28;
	v50 =	vmul.f32 v63, v11  }
0x1e9: {  	v52 =	vmax.f32 v36, $0.0e+00;
	v34 =	vmul.f32 $3.200000000e+01, v48;
	v25 =	vmul.f32 v25, v30  }
0x1ea: {  	v19 =	vld.idx.msk [tilespmem:v19+s15+$0x0], $0xffff;
	v22 =	vmul.f32 v22, v30;
	v30 =	vadd.f32 v62, v10;
	v10 =	vadd.f32 v37, v60  }
0x1eb: {  	v40 =	vmul.f32 v56, v5;
	v29 =	vadd.f32 v25, v24;
	v25 =	vmul.f32 v31, v12  }
0x1ec: {  	v24 =	vadd.f32 v10, v32;
	v10 =	vmul.f32 v23, v13;
	v23 =	vmul.f32 $3.200000000e+01, v43  }
0x1ed: {  	v27 =	vmul.f32 v27, v13;
	v26 =	vadd.f32 v26, v44;
	v33 =	vmul.f32 $3.200000000e+01, v49  }
0x1ee: {  	v35 =	vmax.f32 v35, $0.0e+00;
	v10 =	vadd.f32 v10, v25;
	v25 =	vmax.f32 v23, $0.0e+00  }
0x1ef: {  	v14 =	vld.idx.msk [tilespmem:v14+s15+$0x0], $0xffff;
	v19 =	vmul.f32 v19, v13;
	v34 =	vmax.f32 v34, $0.0e+00;
	v25 =	vmin.f32 v25, $3.199999810e+01  }
0x1f0: {  	v17 =	vmin.f32 v35, $3.199999810e+01;
	v15 =	vadd.f32 v15, v40;
	v53 =	vtrunc.f32 v25  }
0x1f1: {  	v31 =	vmul.f32 v51, v3;
	v51 =	vld [tilespmem:s6+$0xFFFFFFF0];
	v32 =	vmin.f32 v52, $3.199999810e+01;
	v36 =	vcvt.f32.s32 v53  }
0x1f2: {  	v61 =	vld.idx.msk [tilespmem:v6+s2+$0x0], $0xffff;
	v34 =	vmin.f32 v34, $3.199999810e+01;
	v23 =	vmul.f32 v54, v3;
	v54 =	vtrunc.f32 v32  }
0x1f3: {  	v33 =	vmax.f32 v33, $0.0e+00;
	v37 =	vcvt.f32.s32 v54;
	v55 =	vmul.u32 $0x21, v36  }
0x1f4: {  	v59 =	vtrunc.f32 v17;
	v14 =	vmul.f32 v14, v12;
	v28 =	vadd.f32 v22, v28  }
0x1f5: {  	v22 =	vmul.f32 v38, v3;
	v58 =	vtrunc.f32 v34;
	v39 =	vadd.s32 v37, v55  }
0x1f6: {  	v38 =	vcvt.f32.s32 v58;
	v57 =	vmul.f32 $3.200000000e+01, v51;
	v39 =	vmul.u32 $0x21, v39  }
0x1f7: {  	v41 =	vld.idx.msk [tilespmem:v7+s15+$0x0], $0xffff;
	v35 =	vcvt.f32.s32 v59;
	v33 =	vmin.f32 v33, $3.199999810e+01;
	v45 =	vmul.f32 v12, v61  }
0x1f8: {  	v31 =	vadd.f32 v31, v42;
	v42 =	vld.idx.msk [tilespmem:v8+s15+$0x0], $0xffff;
	v8 =	vmax.f32 v57, $0.0e+00;
	v39 =	vadd.s32 v38, v39  }
0x1f9: {  	v62 =	vld.idx.msk [tilespmem:v6+s14+$0x0], $0xffff;
	v3 =	vadd.f32 v50, v47;
	v7 =	vmin.f32 v8, $3.199999810e+01;
	v8 =	vtrunc.f32 v33  }
0x1fa: {  	v43 =	vld.idx.msk [tilespmem:v9+s15+$0x0], $0xffff;
	v9 =	vmul.u32 $0x21, v35;
	v60 =	vtrunc.f32 v7;
	v8 =	vcvt.f32.s32 v8  }
0x1fb: {  	s22 =	simm.s32 $0x1C990;
	v63 =	vld.idx.msk [tilespmem:v6+s15+$0x0], $0xffff;
	v46 =	vadd.f32 v3, v10;
	v44 =	vcvt.f32.s32 v60;
	v48 =	vadd.s32 $0x1, v39  }
0x1fc: {  	s9 =	simm.s32 $0x1CD90;
	[tilespmem:s22+$0x0] =	vst v1;
	v3 =	vcvt.s32.f32 v8;
	v8 =	vadd.s32 v8, v9;
	v50 =	vadd.s32 $0x21, v39  }
0x1fd: {  	s13 =	simm.s32 $0x1C9B0;
	[tilespmem:s9+$0x0] =	vst v4;
	v6 =	vmul.u32 $0x21, v8;
	v8 =	vcvt.s32.f32 v44;
	v51 =	vadd.s32 $0x22, v39;
	v52 =	vld.idx.msk [tilespmem:v39+s2+$0x0], $0xffff  }
0x1fe: {  	s0 =	simm.s32 $0x1CDB0;
	[tilespmem:s13+$0x0] =	vst v30;
	v4 =	vcvt.s32.f32 v38;
	v47 =	vmul.f32 v62, v12;
	v55 =	vadd.s32 $0x442, v39;
	v53 =	vld.idx.msk [tilespmem:v39+s14+$0x0], $0xffff  }
0x1ff: {  	s3 =	simm.s32 $0x1D1B0;
	[tilespmem:s0+$0x0] =	vst v29;
	v33 =	vsub.f32 v33, v3;
	v57 =	vadd.s32 $0x462, v39;
	v60 =	vsub.f32 v7, v8;
	v56 =	vld.idx.msk [tilespmem:v39+s15+$0x0], $0xffff  }
0x200: {  	v20 =	vadd.f32 v45, v20;
	v12 =	vmul.f32 v63, v12;
	[tilespmem:s3+$0x0] =	vst v28;
	v28 =	vcvt.s32.f32 v35;
	v58 =	vld.idx.msk [tilespmem:v48+s2+$0x0], $0xffff  }
0x201: {  	v23 =	vadd.f32 v23, v18;
	v27 =	vadd.f32 v27, v47;
	v1 =	vmul.f32 v33, v60;
	v59 =	vld.idx.msk [tilespmem:v50+s2+$0x0], $0xffff  }
0x202: {  	v19 =	vadd.f32 v19, v12;
	v13 =	vmul.f32 v42, v13;
	v37 =	vcvt.s32.f32 v37;
	v42 =	vld.idx.msk [tilespmem:v51+s2+$0x0], $0xffff  }
0x203: {  	v38 =	vmul.f32 v41, v5;
	v5 =	vsub.f32 v33, v1;
	v33 =	vsub.f32 v34, v4;
	v34 =	vld.idx.msk [tilespmem:v55+s2+$0x0], $0xffff  }
0x204: {  	v17 =	vsub.f32 v17, v28;
	v32 =	vsub.f32 v32, v37;
	v37 =	vld.idx.msk [tilespmem:v57+s2+$0x0], $0xffff  }
0x205: {  	[tilespmem:s22+$0xFFFFFFF0] =	vst v31;
	v31 =	vcvt.s32.f32 v36;
	v29 =	vadd.f32 v13, v14;
	v13 =	vadd.f32 v20, v21;
	v40 =	vld.idx.msk [tilespmem:v48+s14+$0x0], $0xffff  }
0x206: {  	v43 =	vmul.f32 v43, v11;
	v15 =	vadd.f32 v15, v19;
	v14 =	vadd.f32 v26, v27;
	v47 =	vld.idx.msk [tilespmem:v51+s14+$0x0], $0xffff  }
0x207: {  	v25 =	vsub.f32 v25, v31;
	v21 =	vsub.f32 v24, v13;
	v35 =	vld.idx.msk [tilespmem:v55+s14+$0x0], $0xffff  }
0x208: {  	v3 =	vadd.s32 v44, v6;
	v44 =	vadd.s32 $0x441, v39;
	v38 =	vadd.f32 v43, v38;
	v61 =	vld.idx.msk [tilespmem:v57+s14+$0x0], $0xffff  }
0x209: {  	v20 =	vsub.f32 v46, v14;
	v24 =	vadd.f32 v22, v16;
	v48 =	vld.idx.msk [tilespmem:v48+s15+$0x0], $0xffff  }
0x20a: {  	v10 =	vadd.s32 $0x1, v3;
	v19 =	vadd.f32 v38, v29;
	v29 =	vld.idx.msk [tilespmem:v50+s15+$0x0], $0xffff;
	v45 =	vmul.f32 v32, v33  }
0x20b: {  	v8 =	vadd.s32 $0x21, v3;
	v7 =	vadd.s32 $0x22, v3;
	v63 =	vld.idx.msk [tilespmem:v51+s15+$0x0], $0xffff;
	v30 =	vsub.f32 $1.000000000e+00, v33  }
0x20c: {  	s11 =	simm.s32 $0x1D190;
	v39 =	vadd.s32 $0x463, v39;
	v28 =	vld.idx.msk [tilespmem:v55+s15+$0x0], $0xffff;
	v32 =	vsub.f32 v32, v45;
	v33 =	vsub.f32 v33, v45  }
0x20d: {  	[tilespmem:s11+$0x0] =	vst v2;
	v2 =	vsub.f32 $1.000000000e+00, v60;
	v41 =	vld.idx.msk [tilespmem:v44+s2+$0x0], $0xffff;
	v42 =	vmul.f32 v45, v42;
	v47 =	vmul.f32 v47, v45  }
0x20e: {  	v4 =	vsub.f32 v60, v1;
	v60 =	vld.idx.msk [tilespmem:v44+s14+$0x0], $0xffff;
	v62 =	vmul.f32 v33, v58;
	v38 =	vmul.f32 v32, v59  }
0x20f: {  	v6 =	vadd.s32 $0x441, v3;
	v44 =	vld.idx.msk [tilespmem:v44+s15+$0x0], $0xffff;
	v34 =	vmul.f32 v33, v34;
	v37 =	vmul.f32 v37, v32  }
0x210: {  	v9 =	vadd.s32 $0x442, v3;
	v18 =	vld.idx.msk [tilespmem:v10+s2+$0x0], $0xffff;
	v40 =	vmul.f32 v40, v33;
	v22 =	vmul.f32 v35, v33  }
0x211: {  	v49 =	vld.idx.msk [tilespmem:v39+s2+$0x0], $0xffff;
	v30 =	vsub.f32 v30, v32;
	v59 =	vmul.f32 v61, v32;
	v31 =	vmul.f32 v48, v33  }
0x212: {  	v12 =	vadd.s32 $0x462, v3;
	v16 =	vld.idx.msk [tilespmem:v39+s15+$0x0], $0xffff;
	v29 =	vmul.f32 v29, v32;
	v61 =	vmul.f32 v63, v45  }
0x213: {  	v11 =	vadd.s32 $0x463, v3;
	v54 =	vld.idx.msk [tilespmem:v50+s14+$0x0], $0xffff;
	v28 =	vmul.f32 v28, v33;
	v27 =	vmul.f32 v30, v52  }
0x214: {  	v19 =	vsub.f32 v19, v15;
	v26 =	vld.idx.msk [tilespmem:v39+s14+$0x0], $0xffff;
	v43 =	vmul.f32 v53, v30;
	v53 =	vmul.f32 v56, v30  }
0x215: {  	v57 =	vld.idx.msk [tilespmem:v57+s15+$0x0], $0xffff;
	v2 =	vsub.f32 v2, v5;
	v41 =	vmul.f32 v30, v41;
	v58 =	vmul.f32 v60, v30  }
0x216: {  	v38 =	vadd.f32 v38, v42;
	v30 =	vmul.f32 v44, v30;
	v46 =	vmul.f32 v49, v45  }
0x217: {  	v50 =	vld.idx.msk [tilespmem:v9+s2+$0x0], $0xffff;
	v56 =	vmul.f32 v16, v45;
	v16 =	vmul.f32 v4, v18;
	v18 =	vadd.f32 v61, v29  }
0x218: {  	v55 =	vld.idx.msk [tilespmem:v12+s2+$0x0], $0xffff;
	v49 =	vmul.f32 v54, v32;
	v27 =	vadd.f32 v27, v62;
	v41 =	vadd.f32 v41, v34  }
0x219: {  	v63 =	vld.idx.msk [tilespmem:v6+s2+$0x0], $0xffff;
	v26 =	vmul.f32 v26, v45;
	v40 =	vadd.f32 v40, v43;
	v22 =	vadd.f32 v22, v58  }
0x21a: {  	v60 =	vld.idx.msk [tilespmem:v8+s2+$0x0], $0xffff;
	v32 =	vmul.f32 v57, v32;
	v31 =	vadd.f32 v31, v53;
	v29 =	vadd.f32 v28, v30  }
0x21b: {  	v62 =	vld.idx.msk [tilespmem:v7+s2+$0x0], $0xffff;
	v37 =	vadd.f32 v46, v37;
	v52 =	vadd.f32 v47, v49  }
0x21c: {  	v57 =	vld.idx.msk [tilespmem:v11+s2+$0x0], $0xffff;
	v26 =	vadd.f32 v26, v59;
	v32 =	vadd.f32 v56, v32  }
0x21d: {  	v58 =	vld.idx.msk [tilespmem:v10+s14+$0x0], $0xffff;
	v28 =	vadd.f32 v27, v38;
	v37 =	vadd.f32 v37, v41  }
0x21e: {  	v33 =	vld.idx.msk [tilespmem:v7+s14+$0x0], $0xffff;
	v61 =	vmul.f32 v4, v50;
	v27 =	vadd.f32 v52, v40;
	v22 =	vadd.f32 v26, v22  }
0x21f: {  	v34 =	vld.idx.msk [tilespmem:v8+s14+$0x0], $0xffff;
	v36 =	vmul.f32 v5, v60;
	v26 =	vadd.f32 v18, v31;
	v32 =	vadd.f32 v32, v29  }
0x220: {  	v30 =	vld.idx.msk [tilespmem:v6+s14+$0x0], $0xffff;
	v60 =	vmul.f32 v2, v63;
	v59 =	vmul.f32 v1, v62;
	v62 =	vsub.f32 v37, v28  }
0x221: {  	v29 =	vld.idx.msk [tilespmem:v9+s14+$0x0], $0xffff;
	v63 =	vsub.f32 v22, v27;
	v37 =	vmul.f32 v57, v1;
	v39 =	vsub.f32 v32, v26  }
0x222: {  	v31 =	vld.idx.msk [tilespmem:v12+s14+$0x0], $0xffff;
	v35 =	vadd.f32 v60, v61;
	v22 =	vmul.f32 v58, v4;
	v40 =	vmul.f32 v62, v25  }
0x223: {  	s16 =	simm.s32 $0x1C9B0;
	s20 =	simm.s32 $0x1C5F0;
	s19 =	simm.s32 $0x40;
	v32 =	vld.idx.msk [tilespmem:v11+s14+$0x0], $0xffff;
	v18 =	vadd.f32 v36, v59;
	v36 =	vmul.f32 v55, v5;
	v38 =	vmul.f32 v63, v25  }
.LBB2_5:
0x224: {  	v41 =	vld [tilespmem:s20+$0x0];
	v34 =	vmul.f32 v34, v5;
	v28 =	vadd.f32 v40, v28;
	v25 =	vmul.f32 v39, v25;
	[tilespmem:s9+$0xFFFFFFF0] =	vst v24;
	s9 =	smov.u32 s0  }
0x225: {  	v40 =	vadd.f32 v37, v36;
	v33 =	vmul.f32 v33, v1;
	s10 =	sadd.s32 $0x20, s10;
	s13 =	sadd.s32 $0x20, s13;
	v39 =	vld [tilespmem:s20+$0xFFFFFFF0];
	v27 =	vadd.f32 v38, v27;
	[tilespmem:s11+$0xFFFFFFF0] =	vst v23;
	s11 =	smov.u32 s3  }
0x226: {  	s0 =	sadd.s32 $0x20, s0;
	v30 =	vmul.f32 v30, v2;
	v36 =	vld [tilespmem:s10+$0x0];
	[tilespmem:s13+$0x0] =	vst v28;
	v23 =	vadd.f32 v25, v26;
	v26 =	vmul.f32 v21, v0  }
0x227: {  	s3 =	sadd.s32 $0x20, s3;
	v21 =	vadd.f32 v40, v35;
	v28 =	vadd.f32 v33, v34;
	v33 =	vmul.f32 v29, v4;
	v37 =	vld [tilespmem:s10+$0xFFFFFFF0];
	[tilespmem:s0+$0x0] =	vst v27  }
0x228: {  	s6 =	sadd.s32 $0x20, s6;
	v24 =	vmov v14;
	v27 =	vmul.f32 v31, v5;
	v10 =	vld.idx.msk [tilespmem:v10+s15+$0x0], $0xffff;
	[tilespmem:s3+$0x0] =	vst v23;
	v23 =	vmul.f32 v20, v0  }
0x229: {  	v29 =	vadd.f32 v33, v30;
	v30 =	vmul.f32 v32, v1;
	v25 =	vmovc v15;
	v14 =	vld [tilespmem:s6+$0x0];
	v20 =	vmul.f32 $3.200000000e+01, v41  }
0x22a: {  	v13 =	vadd.f32 v26, v13;
	v26 =	vmul.f32 v19, v0;
	v0 =	vmovc v17;
	v15 =	vld [tilespmem:s6+$0xFFFFFFF0];
	v31 =	vmul.f32 $3.200000000e+01, v39  }
0x22b: {  	v19 =	vmul.f32 $3.200000000e+01, v36;
	v17 =	vmax.f32 v20, $0.0e+00;
	v8 =	vld.idx.msk [tilespmem:v8+s15+$0x0], $0xffff;
	v20 =	vadd.f32 v30, v27  }
0x22c: {  	v30 =	vmul.f32 $3.200000000e+01, v37;
	v31 =	vmax.f32 v31, $0.0e+00;
	v27 =	vmin.f32 v17, $3.199999810e+01;
	v7 =	vld.idx.msk [tilespmem:v7+s15+$0x0], $0xffff;
	[tilespmem:s16+$0xFFFFFFF0] =	vst v13;
	s16 =	smov.u32 s13  }
0x22d: {  	v17 =	vmin.f32 v31, $3.199999810e+01;
	v13 =	vmax.f32 v19, $0.0e+00;
	v19 =	vtrunc.f32 v27;
	v31 =	vld.idx.msk [tilespmem:v6+s15+$0x0], $0xffff  }
0x22e: {  	v6 =	vmul.f32 $3.200000000e+01, v14;
	v13 =	vmin.f32 v13, $3.199999810e+01;
	v14 =	vcvt.f32.s32 v19;
	v19 =	vld.idx.msk [tilespmem:v9+s15+$0x0], $0xffff  }
0x22f: {  	v9 =	vmul.f32 $3.200000000e+01, v15;
	v15 =	vmax.f32 v30, $0.0e+00;
	v30 =	vtrunc.f32 v13;
	v32 =	vld.idx.msk [tilespmem:v12+s15+$0x0], $0xffff  }
0x230: {  	v6 =	vmax.f32 v6, $0.0e+00;
	v30 =	vcvt.f32.s32 v30;
	v12 =	vmul.u32 $0x21, v14;
	v33 =	vld.idx.msk [tilespmem:v11+s15+$0x0], $0xffff  }
0x231: {  	v11 =	vtrunc.f32 v17;
	v9 =	vmax.f32 v9, $0.0e+00;
	v34 =	vmin.f32 v6, $3.199999810e+01;
	v35 =	vld.idx.msk [tilespmem:v3+s2+$0x0], $0xffff  }
0x232: {  	v36 =	vcvt.f32.s32 v11;
	v6 =	vtrunc.f32 v34;
	v11 =	vadd.s32 v30, v12;
	v37 =	vld.idx.msk [tilespmem:v3+s14+$0x0], $0xffff  }
0x233: {  	v12 =	vmin.f32 v15, $3.199999810e+01;
	v15 =	vcvt.f32.s32 v6;
	v6 =	vmul.u32 $0x21, v11;
	v38 =	vld.idx.msk [tilespmem:v3+s15+$0x0], $0xffff  }
0x234: {  	v3 =	vmin.f32 v9, $3.199999810e+01;
	v9 =	vtrunc.f32 v12;
	v11 =	vmul.u32 $0x21, v36  }
0x235: {  	v39 =	vtrunc.f32 v3;
	v9 =	vcvt.f32.s32 v9;
	v40 =	vadd.s32 v15, v6  }
0x236: {  	v20 =	vadd.f32 v20, v29;
	v29 =	vmul.f32 v10, v4;
	v6 =	vcvt.f32.s32 v39  }
0x237: {  	v39 =	vmul.f32 v8, v5;
	v10 =	vcvt.s32.f32 v9;
	v9 =	vadd.s32 v9, v11  }
0x238: {  	v41 =	vadd.s32 $0x1, v40;
	v8 =	vcvt.s32.f32 v6;
	v9 =	vmul.u32 $0x21, v9  }
0x239: {  	v44 =	vmul.f32 v7, v1;
	v43 =	vadd.s32 $0x21, v40;
	v42 =	vsub.f32 v12, v10  }
0x23a: {  	v46 =	vadd.s32 $0x22, v40;
	v45 =	vsub.f32 v3, v8;
	v3 =	vadd.s32 v6, v9;
	v47 =	vld.idx.msk [tilespmem:v40+s2+$0x0], $0xffff  }
0x23b: {  	s19 =	sadd.s32 $0x20, s19;
	v48 =	vadd.s32 $0x441, v40;
	v10 =	vadd.s32 $0x1, v3;
	v8 =	vadd.s32 $0x21, v3;
	v49 =	vld.idx.msk [tilespmem:v40+s14+$0x0], $0xffff  }
0x23c: {  	p0 =	slt.u32 s19, $0x3E0;
	v50 =	vadd.s32 $0x442, v40;
	v7 =	vadd.s32 $0x22, v3;
	v6 =	vadd.s32 $0x441, v3;
	v51 =	vld.idx.msk [tilespmem:v40+s15+$0x0], $0xffff  }
0x23d: {  	v52 =	vadd.s32 $0x462, v40;
	v9 =	vadd.s32 $0x442, v3;
	v12 =	vadd.s32 $0x462, v3;
	v53 =	vld.idx.msk [tilespmem:v41+s2+$0x0], $0xffff  }
0x23e: {  	v11 =	vadd.s32 $0x463, v3;
	v54 =	vmul.f32 v42, v45;
	v40 =	vadd.s32 $0x463, v40;
	v55 =	vld.idx.msk [tilespmem:v43+s2+$0x0], $0xffff  }
0x23f: {  	v31 =	vmul.f32 v31, v2;
	v19 =	vmul.f32 v19, v4;
	v56 =	vsub.f32 $1.000000000e+00, v45;
	v57 =	vld.idx.msk [tilespmem:v46+s2+$0x0], $0xffff  }
0x240: {  	v30 =	vcvt.s32.f32 v30;
	v15 =	vcvt.s32.f32 v15;
	v42 =	vsub.f32 v42, v54;
	v58 =	vld.idx.msk [tilespmem:v48+s2+$0x0], $0xffff  }
0x241: {  	v32 =	vmul.f32 v32, v5;
	v33 =	vmul.f32 v33, v1;
	v4 =	vsub.f32 v45, v54;
	v45 =	vld.idx.msk [tilespmem:v50+s2+$0x0], $0xffff  }
0x242: {  	v5 =	vsub.f32 v13, v30;
	v59 =	vmul.f32 v2, v35;
	v15 =	vsub.f32 v34, v15;
	v30 =	vld.idx.msk [tilespmem:v52+s2+$0x0], $0xffff  }
0x243: {  	v13 =	vmul.f32 v37, v2;
	v35 =	vmul.f32 v38, v2;
	v2 =	vsub.f32 v56, v42;
	v34 =	vld.idx.msk [tilespmem:v40+s2+$0x0], $0xffff  }
0x244: {  	v39 =	vadd.f32 v44, v39;
	v16 =	vadd.f32 v59, v16;
	v37 =	vmul.f32 v5, v15;
	v38 =	vld.idx.msk [tilespmem:v41+s14+$0x0], $0xffff  }
0x245: {  	v36 =	vcvt.s32.f32 v36;
	v22 =	vadd.f32 v22, v13;
	v29 =	vadd.f32 v29, v35;
	v1 =	vmovc v54;
	v44 =	vld.idx.msk [tilespmem:v43+s14+$0x0], $0xffff  }
0x246: {  	v13 =	vsub.f32 $1.000000000e+00, v15;
	v35 =	vsub.f32 v5, v37;
	v5 =	vmov v42;
	v54 =	vld.idx.msk [tilespmem:v46+s14+$0x0], $0xffff  }
0x247: {  	v19 =	vadd.f32 v19, v31;
	v31 =	vadd.f32 v33, v32;
	v42 =	vld.idx.msk [tilespmem:v48+s14+$0x0], $0xffff  }
0x248: {  	v32 =	vsub.f32 v13, v35;
	v13 =	vadd.f32 v16, v18;
	v33 =	vld.idx.msk [tilespmem:v50+s14+$0x0], $0xffff  }
0x249: {  	v16 =	vcvt.s32.f32 v14;
	v18 =	vsub.f32 v15, v37;
	v14 =	vadd.f32 v28, v22;
	v56 =	vld.idx.msk [tilespmem:v52+s14+$0x0], $0xffff  }
0x24a: {  	v15 =	vadd.f32 v39, v29;
	v28 =	vmul.f32 v32, v47;
	v47 =	vmul.f32 v49, v32;
	v22 =	vld.idx.msk [tilespmem:v40+s14+$0x0], $0xffff  }
0x24b: {  	v19 =	vadd.f32 v31, v19;
	v39 =	vmul.f32 v18, v53;
	v29 =	vld.idx.msk [tilespmem:v41+s15+$0x0], $0xffff;
	v41 =	vmul.f32 v51, v32  }
0x24c: {  	v21 =	vsub.f32 v21, v13;
	v49 =	vmul.f32 v37, v57;
	v31 =	vld.idx.msk [tilespmem:v43+s15+$0x0], $0xffff;
	v43 =	vmul.f32 v35, v55  }
0x24d: {  	v20 =	vsub.f32 v20, v14;
	v45 =	vmul.f32 v18, v45;
	v51 =	vmul.f32 v32, v58;
	v46 =	vld.idx.msk [tilespmem:v46+s15+$0x0], $0xffff  }
0x24e: {  	v19 =	vsub.f32 v19, v15;
	v30 =	vmul.f32 v30, v35;
	v34 =	vmul.f32 v34, v37;
	v48 =	vld.idx.msk [tilespmem:v48+s15+$0x0], $0xffff  }
0x24f: {  	v17 =	vsub.f32 v17, v36;
	v38 =	vmul.f32 v38, v18;
	v44 =	vmul.f32 v44, v35;
	v36 =	vld.idx.msk [tilespmem:v50+s15+$0x0], $0xffff  }
0x250: {  	v24 =	vadd.f32 v23, v24;
	v42 =	vmul.f32 v42, v32;
	v50 =	vld.idx.msk [tilespmem:v52+s15+$0x0], $0xffff;
	v52 =	vmul.f32 v54, v37  }
0x251: {  	v23 =	vadd.f32 v26, v25;
	v33 =	vmul.f32 v33, v18;
	v53 =	vmul.f32 v56, v35;
	v40 =	vld.idx.msk [tilespmem:v40+s15+$0x0], $0xffff  }
0x252: {  	v25 =	vsub.f32 v27, v16;
	v16 =	vmul.f32 v22, v37;
	v22 =	vmul.f32 v29, v18;
	v26 =	vld.idx.msk [tilespmem:v10+s2+$0x0], $0xffff  }
0x253: {  	v28 =	vadd.f32 v28, v39;
	v29 =	vmul.f32 v31, v35;
	v31 =	vmul.f32 v46, v37;
	v27 =	vld.idx.msk [tilespmem:v8+s2+$0x0], $0xffff  }
0x254: {  	v45 =	vadd.f32 v51, v45;
	v43 =	vadd.f32 v43, v49;
	v32 =	vmul.f32 v48, v32;
	v39 =	vld.idx.msk [tilespmem:v7+s2+$0x0], $0xffff  }
0x255: {  	v30 =	vadd.f32 v34, v30;
	v38 =	vadd.f32 v38, v47;
	v18 =	vmul.f32 v36, v18;
	v46 =	vld.idx.msk [tilespmem:v6+s2+$0x0], $0xffff  }
0x256: {  	v42 =	vadd.f32 v33, v42;
	v44 =	vadd.f32 v52, v44;
	v33 =	vmul.f32 v50, v35;
	v36 =	vld.idx.msk [tilespmem:v9+s2+$0x0], $0xffff  }
0x257: {  	v47 =	vadd.f32 v16, v53;
	v22 =	vadd.f32 v22, v41;
	v34 =	vmul.f32 v40, v37;
	v35 =	vld.idx.msk [tilespmem:v12+s2+$0x0], $0xffff  }
0x258: {  	v18 =	vadd.f32 v18, v32;
	v16 =	vmul.f32 v4, v26;
	v26 =	vadd.f32 v31, v29;
	v37 =	vld.idx.msk [tilespmem:v11+s2+$0x0], $0xffff  }
0x259: {  	v28 =	vadd.f32 v28, v43;
	v31 =	vmul.f32 v5, v27;
	v29 =	vadd.f32 v34, v33;
	v41 =	vld.idx.msk [tilespmem:v10+s14+$0x0], $0xffff  }
0x25a: {  	v27 =	vadd.f32 v44, v38;
	v32 =	vmul.f32 v1, v39;
	v39 =	vadd.f32 v30, v45;
	v34 =	vld.idx.msk [tilespmem:v8+s14+$0x0], $0xffff  }
.Ltmp1:
0x25b: {  	v40 =	vadd.f32 v47, v42;
	v26 =	vadd.f32 v26, v22;
	v38 =	vmul.f32 v2, v46;
	v33 =	vld.idx.msk [tilespmem:v7+s14+$0x0], $0xffff;
	(pc) =	sbr.rel @p0 .LBB2_5-.Ltmp1, $4  }
0x25c: {  	v42 =	vadd.f32 v29, v18;
	v22 =	vmul.f32 v4, v36;
	v39 =	vsub.f32 v39, v28;
	v30 =	vld.idx.msk [tilespmem:v6+s14+$0x0], $0xffff  }
0x25d: {  	v43 =	vsub.f32 v40, v27;
	v18 =	vadd.f32 v31, v32;
	v36 =	vmul.f32 v35, v5;
	v29 =	vld.idx.msk [tilespmem:v9+s14+$0x0], $0xffff  }
0x25e: {  	v37 =	vmul.f32 v37, v1;
	v40 =	vmul.f32 v39, v25;
	v39 =	vsub.f32 v42, v26;
	v31 =	vld.idx.msk [tilespmem:v12+s14+$0x0], $0xffff  }
0x25f: {  	s20 =	sadd.s32 $0x20, s20;
	v35 =	vadd.f32 v38, v22;
	v38 =	vmul.f32 v43, v25;
	v22 =	vmul.f32 v41, v4;
	v32 =	vld.idx.msk [tilespmem:v11+s14+$0x0], $0xffff  }
0x260: {  	_ =	sdelay $0x3  }
0x261: {  	v10 =	vld.idx.msk [tilespmem:v10+s15+$0x0], $0xffff  }
0x262: {  	v8 =	vld.idx.msk [tilespmem:v8+s15+$0x0], $0xffff  }
0x263: {  	v7 =	vld.idx.msk [tilespmem:v7+s15+$0x0], $0xffff  }
0x264: {  	v6 =	vld.idx.msk [tilespmem:v6+s15+$0x0], $0xffff  }
0x265: {  	v9 =	vld.idx.msk [tilespmem:v9+s15+$0x0], $0xffff  }
0x266: {  	v12 =	vld.idx.msk [tilespmem:v12+s15+$0x0], $0xffff  }
0x267: {  	v34 =	vmul.f32 v34, v5;
	v28 =	vadd.f32 v40, v28;
	v25 =	vmul.f32 v39, v25;
	v42 =	vld.idx.msk [tilespmem:v3+s2+$0x0], $0xffff  }
0x268: {  	v36 =	vadd.f32 v37, v36;
	v33 =	vmul.f32 v33, v1;
	v43 =	vld.idx.msk [tilespmem:v3+s14+$0x0], $0xffff;
	v30 =	vmul.f32 v30, v2  }
0x269: {  	v46 =	vld.idx.msk [tilespmem:v3+s15+$0x0], $0xffff;
	v27 =	vadd.f32 v38, v27;
	v29 =	vmul.f32 v29, v4;
	v44 =	vmul.f32 v31, v5  }
0x26a: {  	v11 =	vld.idx.msk [tilespmem:v11+s15+$0x0], $0xffff;
	v25 =	vadd.f32 v25, v26;
	v45 =	vmul.f32 v32, v1;
	v10 =	vmul.f32 v10, v4  }
0x26b: {  	v47 =	vadd.f32 v36, v35;
	v8 =	vmul.f32 v8, v5;
	v7 =	vmul.f32 v7, v1  }
0x26c: {  	v48 =	vadd.f32 v33, v34;
	v6 =	vmul.f32 v6, v2;
	v49 =	vmul.f32 v2, v42  }
0x26d: {  	v29 =	vadd.f32 v29, v30;
	v50 =	vmul.f32 v9, v4;
	v51 =	vmul.f32 v43, v2  }
0x26e: {  	v52 =	vmul.f32 v12, v5;
	v53 =	vmul.f32 v46, v2;
	v26 =	vadd.f32 v45, v44  }
0x26f: {  	v55 =	vmul.f32 v11, v1;
	v54 =	vadd.f32 v49, v16;
	v7 =	vadd.f32 v7, v8  }
0x270: {  	v56 =	vadd.f32 v22, v51;
	v2 =	vadd.f32 v10, v53  }
0x271: {  	v4 =	vadd.f32 v50, v6;
	v1 =	vadd.f32 v55, v52  }
0x272: {  	[tilespmem:s9+$0xFFFFFFF0] =	vst v24;
	v26 =	vadd.f32 v26, v29;
	v3 =	vadd.f32 v54, v18  }
0x273: {  	s6 =	sadd.s32 $0x20, s13;
	v57 =	vmul.f32 v21, v0;
	[tilespmem:s11+$0xFFFFFFF0] =	vst v23;
	v58 =	vadd.f32 v48, v56;
	v2 =	vadd.f32 v7, v2  }
0x274: {  	s19 =	sadd.s32 $0x20, s0;
	v59 =	vmul.f32 v20, v0;
	[tilespmem:s6+$0x0] =	vst v28;
	v1 =	vadd.f32 v1, v4;
	v60 =	vsub.f32 v47, v3  }
0x275: {  	s10 =	sadd.s32 $0x20, s3;
	v61 =	vmul.f32 v19, v0;
	[tilespmem:s19+$0x0] =	vst v27;
	v5 =	vadd.f32 v57, v13;
	v8 =	vsub.f32 v26, v58  }
0x276: {  	[tilespmem:s10+$0x0] =	vst v25;
	v7 =	vadd.f32 v59, v14;
	v1 =	vsub.f32 v1, v2;
	v4 =	vmul.f32 v60, v17  }
0x277: {  	v0 =	vadd.f32 v61, v15;
	[tilespmem:s16+$0xFFFFFFF0] =	vst v5;
	v62 =	vmul.f32 v8, v17  }
0x278: {  	[tilespmem:s0+$0xFFFFFFF0] =	vst v7;
	v1 =	vmul.f32 v1, v17;
	v3 =	vadd.f32 v4, v3  }
0x279: {  	[tilespmem:s3+$0xFFFFFFF0] =	vst v0;
	v63 =	vadd.f32 v62, v58  }
0x27a: {  	v1 =	vadd.f32 v1, v2;
	[tilespmem:s6+$0xFFFFFFF0] =	vst v3  }
0x27b: {  	s17 =	sadd.s32 $0x1, s17;
	[tilespmem:s19+$0xFFFFFFF0] =	vst v63  }
0x27c: {  	s20 =	sadd.s32 s4, s18;
	p0 =	sne.s32 s17, $0x10;
	[tilespmem:s10+$0xFFFFFFF0] =	vst v1  }
0x27d: {  	[hbm4b:s20+s2] =	stream.linear.scatter [tilespmem:s29], [sflag:$0x4], $0x400, $0x38;
	[tilespmem:$0x1D580] =	vst v63  }
.Ltmp2:
0x27e: {  	_ = 	snop;
	(pc) =	sbr.rel @p0 .LBB2_2-.Ltmp2, $4  }
0x27f: {  	s21 =	sadd.s32 s4, s7  }
0x280: {  	[hbm4b:s21+s2] =	stream.linear.scatter [tilespmem:s30], [sflag:$0x4], $0x400, $0x38;
	[tilespmem:$0x1D580] =	vst v63  }
0x281: {  	s22 =	sadd.s32 s4, s8  }
0x282: {  	[hbm4b:s22+s2] =	stream.linear.scatter [tilespmem:s31], [sflag:$0x4], $0x400, $0x38;
	[tilespmem:$0x1D580] =	vst v63  }
0x283: {  	s0 =	simm.s32 $0x3  }
0x284: {  	_ =	swait.ge [sflag:s0], $0x400  }
0x285: {  	[sflag:s0] =	ssyncset.done $0x0  }
0x286: {  	[sflag:s0] =	ssyncadd.s32 $0xFFFFFC00  }
0x287: {  	_ =	swait.ge [sflag:s0], $0x400  }
0x288: {  	[sflag:s0] =	ssyncset.done $0x0  }
0x289: {  	[sflag:s0] =	ssyncadd.s32 $0xFFFFFC00  }
0x28a: {  	_ =	swait.ge [sflag:s0], $0x400  }
0x28b: {  	[sflag:s0] =	ssyncset.done $0x0  }
0x28c: {  	s3 =	simm.s32 $0x4;
	[sflag:s0] =	ssyncadd.s32 $0xFFFFFC00  }
0x28d: {  	_ =	swait.ge [sflag:s3], $0x400  }
0x28e: {  	[sflag:s3] =	ssyncset.done $0x0  }
0x28f: {  	[sflag:s3] =	ssyncadd.s32 $0xFFFFFC00  }
0x290: {  	_ =	swait.ge [sflag:s3], $0x400  }
0x291: {  	[sflag:s3] =	ssyncset.done $0x0  }
0x292: {  	[sflag:s3] =	ssyncadd.s32 $0xFFFFFC00  }
0x293: {  	_ =	swait.ge [sflag:s3], $0x400  }
0x294: {  	s6 =	rddreg [dreg:$0xa]  }
0x295: {  	s22 =	rddreg [dreg:$0x9];
	s6 =	sadd.s32 $0x1, s6  }
0x296: {  	p0 =	sne.s32 s6, s22  }
.Ltmp3:
0x297: {  	_ = 	snop;
	(pc) =	sbr.rel @p0 .LBB2_1-.Ltmp3, $3  }
0x298: {  	_ =	sdelay $0x1  }
0x299: {  	[sflag:s3] =	ssyncset.done $0x0  }
0x29a: {  	[sflag:s3] =	ssyncadd.s32 $0xFFFFFC00  }
0x29b: {  	_ =	sfence.sel $0x180000  }
0x29c: {  	[bflag:$0x0] =	sbarrier.arrive $0xFFFF  }
0x29d: {  	_ =	strace $0x90000047  }
0x29e: {  	s0 =	stileid.u32;
	[bflag:$0x2] =	sbarrier.arrive $0xFFFF  }
0x29f: {  	p0 =	sne.s32 s0, $0x0;
	s0 =	rddreg [dreg:$0x2]  }
0x2a0: {  	s0 =	sadd.s32 @!p0 $0x100000, s0  }
0x2a1: {  	[sflag:s0] =	ssyncadd.tile.s32 @!p0 $0x1;
	_ =	shalt  }
.Lfunc_end2:
_tile_overlayer_lowered:
.L_overlay_start_2:
0x2a2: {  	(tag) =	ssettag $0x2  }
0x2a3: {  	s0 =	rddreg [dreg:$0x0];
	s2 =	stileid.u32  }
0x2a4: {  	s1 =	rddreg [dreg:$0x1];
	p0 =	sne.s32 s2, $0x0  }
0x2a5: {  	s3 =	rddreg [dreg:$0x2];
	[bflag:$0x3] =	sbarrier.arrive $0xFFFF;
	s2 =	simm.s32 @!p0 $0x1C06  }
0x2a6: {  	[timem:s3], [sflag:s2] =	dma.local @!p0 [hbm:s0], s1  }
0x2a7: {  	s0 =	simm.s32 @!p0 $0x6  }
0x2a8: {  	_ =	swait.ge @!p0 [sflag:s0], s1  }
0x2a9: {  	s1 =	ssub.s32 @!p0 $0x0, s1;
	[sflag:s0] =	ssyncset.done @!p0 $0x0  }
0x2aa: {  	[sflag:s0] =	ssyncadd.s32 @!p0 s1  }
0x2ab: {  	[bflag:$0x3] =	sbarrier.arrive $0xFFFF  }
0x2ac: {  	_ =	shalt  }

</sc_bundles>
